<compile_context>
chip_gen: v7x
topology: tpu7x:2x2x1
jax: 0.10.2.dev20260603
libtpu: 0.0.44.dev20260713+nightly
codegen_flags: <defaults>
</compile_context>

<pallas_src>
import functools

import jax
import jax.numpy as jnp
import numpy as np
from jax import lax
from jax.experimental import pallas as pl
from jax.experimental.pallas import tpu as pltpu
from jax.experimental.pallas import tpu_sc as plsc

N, S, D, C, TOPK = 64, 2048, 128, 1024, 64
NB = 8
NWORKERS = 32
ROWS_PER_W = N // NWORKERS
INT_MIN = np.int32(-2147483648)


def _prefix_exclusive(x):
    NCH = S // 128
    x3 = x.reshape(NB, NCH, 128)
    lane = lax.broadcasted_iota(jnp.int32, (NB, NCH, 128), 2)
    c = x3
    for sft in (1, 2, 4, 8, 16, 32, 64):
        c = c + jnp.where(lane >= sft, pltpu.roll(c, sft, 2), jnp.int32(0))
    tot = c[:, :, 127]
    ch = lax.broadcasted_iota(jnp.int32, (NB, NCH), 1)
    t2 = tot
    for sft in (1, 2, 4, 8):
        t2 = t2 + jnp.where(ch >= sft, pltpu.roll(t2, sft, 1), jnp.int32(0))
    excl = t2 - tot
    return (c - x3 + excl[:, :, None]).reshape(NB, S)


def _logits_select_body(q_ref, K_ref, w_ref, dst_ref):
    rows = [
        lax.dot_general(q_ref[i:i + 1, :], K_ref[i],
                        (((1,), (1,)), ((), ())),
                        preferred_element_type=jnp.float32)
        for i in range(NB)
    ]
    L = jnp.concatenate(rows, axis=0) * np.float32(1.0 / np.sqrt(D))

    b = lax.bitcast_convert_type(L, jnp.int32)
    key = b ^ jnp.where(b < 0, jnp.int32(0x7FFFFFFF), jnp.int32(0))

    def count_ge(t):
        return jnp.sum(jnp.where(key >= t, jnp.int32(1), jnp.int32(0)),
                       axis=-1, keepdims=True)

    T = jnp.where(count_ge(jnp.zeros((NB, 1), jnp.int32)) >= TOPK,
                  jnp.int32(0), INT_MIN)
    for bit in range(30, -1, -1):
        Tc = T | jnp.int32(1 << bit)
        T = jnp.where(count_ge(Tc) >= TOPK, Tc, T)

    gt = key > T
    eq = key == T
    cnt_gt = jnp.sum(jnp.where(gt, jnp.int32(1), jnp.int32(0)),
                     axis=-1, keepdims=True)
    r = TOPK - cnt_gt
    a = jnp.where(gt, jnp.int32(65536), jnp.int32(0)) \
        + jnp.where(eq, jnp.int32(1), jnp.int32(0))
    P = _prefix_exclusive(a)
    eqb = P & jnp.int32(0xFFFF)
    gtb = lax.shift_right_logical(P, 16)
    sel = gt | (eq & (eqb < r))

    rowmax = jnp.max(L, axis=-1, keepdims=True)
    ex = jnp.where(sel, jnp.exp(L - rowmax), 0.0)
    denom = jnp.sum(ex, axis=-1, keepdims=True)
    w_ref[...] = ex / denom
    srank = gtb + jnp.minimum(eqb, r)
    dst_ref[...] = jnp.where(sel, srank, jnp.int32(0))


def _sc_body(W_hbm, R_hbm, V_hbm, G_hbm, wk_hbm,
             wrow_v, rrow_v, idx_v, wkv_v, rows_v,
             sem_in, sem_g, sem_out):
    wid = lax.axis_index("s") * 2 + lax.axis_index("c")
    lanes = lax.iota(jnp.int32, 16)
    UNROLL = 4
    n0 = wid * ROWS_PER_W
    cps = []
    for rr in range(ROWS_PER_W):
        cps.append(pltpu.async_copy(W_hbm.at[n0 + rr], wrow_v.at[rr], sem_in))
        cps.append(pltpu.async_copy(R_hbm.at[n0 + rr], rrow_v.at[rr], sem_in))
    for rr in range(ROWS_PER_W):
        for j in range(TOPK // 16):
            idx_v[rr, pl.ds(16 * j, 16)] = jnp.zeros((16,), jnp.int32)
            wkv_v[rr, pl.ds(16 * j, 16)] = jnp.zeros((16,), jnp.float32)
    for cp in cps:
        cp.wait()

    gathers = []
    for rr in range(ROWS_PER_W):
        n = n0 + rr

        def chunk(cc, carry, rr=rr, n=n):
            for u in range(UNROLL):
                c = cc * UNROLL + u
                w16 = wrow_v[rr, pl.ds(c * 16, 16)]
                d16 = rrow_v[rr, pl.ds(c * 16, 16)]
                m = w16 > 0.0
                spos = n * S + c * 16 + lanes
                plsc.store_scatter(idx_v.at[rr], [d16], spos, mask=m)
                plsc.store_scatter(wkv_v.at[rr], [d16], w16, mask=m)
            return carry

        lax.fori_loop(0, S // 16 // UNROLL, chunk, jnp.int32(0))
        gathers.append(
            pltpu.async_copy(V_hbm.at[idx_v.at[rr]], rows_v.at[rr], sem_g))

    outs = []
    for rr in range(ROWS_PER_W):
        n = n0 + rr
        gathers[rr].wait()
        outs.append(pltpu.async_copy(
            rows_v.at[rr], G_hbm.at[pl.ds(n * TOPK, TOPK)], sem_out))
        outs.append(pltpu.async_copy(wkv_v.at[rr], wk_hbm.at[n], sem_out))
    for cp in outs:
        cp.wait()


def _make_sc_compact_gather():
    return functools.partial(
        pl.kernel,
        mesh=plsc.VectorSubcoreMesh(core_axis_name="c", subcore_axis_name="s"),
        compiler_params=pltpu.CompilerParams(needs_layout_passes=False),
        out_type=[
            jax.ShapeDtypeStruct((N * TOPK, D), jnp.float32),
            jax.ShapeDtypeStruct((N, TOPK), jnp.float32),
        ],
        scratch_types=[
            pltpu.VMEM((ROWS_PER_W, S), jnp.float32),
            pltpu.VMEM((ROWS_PER_W, S), jnp.int32),
            pltpu.VMEM((ROWS_PER_W, TOPK), jnp.int32),
            pltpu.VMEM((ROWS_PER_W, TOPK), jnp.float32),
            pltpu.VMEM((ROWS_PER_W, TOPK, D), jnp.float32),
            pltpu.SemaphoreType.DMA,
            pltpu.SemaphoreType.DMA,
            pltpu.SemaphoreType.DMA,
        ],
    )(_sc_body)


def _readout_body(wk_ref, G_ref, Wc_ref, bc_ref, Wr_ref, br_ref,
                  cls_ref, rec_ref):
    G = G_ref[...].reshape(N, TOPK, D)
    wk = wk_ref[...]
    s = jnp.sum(G * wk[:, :, None], axis=1)
    cls_ref[...] = lax.dot_general(
        s, Wc_ref[...], (((1,), (1,)), ((), ())),
        preferred_element_type=jnp.float32) + bc_ref[...]
    rec_ref[...] = lax.dot_general(
        s, Wr_ref[...], (((1,), (1,)), ((), ())),
        preferred_element_type=jnp.float32) + br_ref[...]


@jax.jit
def kernel(q, K, V, z, y, W_c, b_c, W_r, b_r):
    del z, y
    weights, dstr = pl.pallas_call(
        _logits_select_body,
        grid=(N // NB,),
        in_specs=[
            pl.BlockSpec((NB, D), lambda i: (i, 0)),
            pl.BlockSpec((NB, S, D), lambda i: (i, 0, 0)),
        ],
        out_specs=[
            pl.BlockSpec((NB, S), lambda i: (i, 0)),
            pl.BlockSpec((NB, S), lambda i: (i, 0)),
        ],
        out_shape=[
            jax.ShapeDtypeStruct((N, S), jnp.float32),
            jax.ShapeDtypeStruct((N, S), jnp.int32),
        ],
    )(q, K)

    G, wk = _make_sc_compact_gather()(weights, dstr, V.reshape(N * S, D))

    cls_out, rec_out = pl.pallas_call(
        _readout_body,
        in_specs=[
            pl.BlockSpec((N, TOPK), lambda: (0, 0)),
            pl.BlockSpec((N * TOPK, D), lambda: (0, 0)),
            pl.BlockSpec((C, D), lambda: (0, 0)),
            pl.BlockSpec((1, C), lambda: (0, 0)),
            pl.BlockSpec((D, D), lambda: (0, 0)),
            pl.BlockSpec((1, D), lambda: (0, 0)),
        ],
        out_specs=[
            pl.BlockSpec((N, C), lambda: (0, 0)),
            pl.BlockSpec((N, D), lambda: (0, 0)),
        ],
        out_shape=[
            jax.ShapeDtypeStruct((N, C), jnp.float32),
            jax.ShapeDtypeStruct((N, D), jnp.float32),
        ],
    )(wk, G, W_c, b_c.reshape(1, C), W_r, b_r.reshape(1, D))

    return (cls_out, rec_out, weights)

# --- scband reference (transcript-rebuilt; emitter-appended) ---
"""Pipeline reference for scband-top-kreadout-29377576305109 (READ-ONLY COPY).

The authoritative reference and input builder live on the scoring server;
editing this copy changes nothing except your own understanding.
"""

import jax, jax.numpy as jnp
import numpy as np

N, S, D, C, TOPK = 64, 2048, 128, 1024, 64

def setup_inputs(seed: int = 0) -> dict:
    key = jax.random.key(seed)
    ks = jax.random.split(key, 8)
    q = jax.random.normal(ks[0], (N, D), dtype=jnp.float32)
    K = jax.random.normal(ks[1], (N, S, D), dtype=jnp.float32)
    V = jax.random.normal(ks[2], (N, S, D), dtype=jnp.float32)
    z = jax.random.normal(ks[3], (N, D), dtype=jnp.float32)
    y = jax.random.randint(ks[4], (N,), 0, C)
    W_c = jax.random.normal(ks[5], (C, D), dtype=jnp.float32) / np.sqrt(D)
    b_c = jnp.zeros((C,), dtype=jnp.float32)
    W_r = jax.random.normal(ks[6], (D, D), dtype=jnp.float32) / np.sqrt(D)
    b_r = jnp.zeros((D,), dtype=jnp.float32)
    return {"q": q, "K": K, "V": V, "z": z, "y": y,
            "W_c": W_c, "b_c": b_c, "W_r": W_r, "b_r": b_r}

def reference(q, K, V, z, y, W_c, b_c, W_r, b_r):
    # logits = einsum('nd,nsd->ns', q, K) / sqrt(d)
    logits = jnp.einsum('nd,nsd->ns', q, K) / jnp.sqrt(jnp.asarray(q.shape[-1], jnp.float32))
    keep = min(max(TOPK, 1), logits.shape[-1])
    vals, idx = jax.lax.top_k(logits, keep)
    # masked = full(-inf); masked.scatter_(-1, idx, vals)
    masked = jnp.full_like(logits, -jnp.inf)
    rows = jnp.arange(logits.shape[0])[:, None]
    masked = masked.at[rows, idx].set(vals)
    weights = jax.nn.softmax(masked, axis=-1)
    summary = jnp.einsum('ns,nsd->nd', weights, V)
    cls_out = summary @ W_c.T + b_c
    rec_out = summary @ W_r.T + b_r
    return (cls_out, rec_out, weights)

if __name__ == "__main__":
    import jax
    _d = setup_inputs()
    print(jax.jit(kernel)(*tuple(_d.values())))

</pallas_src>

<mosaic_0001>
#map = affine_map<(d0, d1) -> (0, 0)>
module attributes {stable_mosaic.version = 14 : i64} {
  func.func @_sc_body(%arg0: i32, %arg1: i32, %arg2: memref<64x2048xf32, #tpu.memory_space<hbm>>, %arg3: memref<64x2048xi32, #tpu.memory_space<hbm>>, %arg4: memref<131072x128xf32, #tpu.memory_space<hbm>>, %arg5: memref<4096x128xf32, #tpu.memory_space<hbm>>, %arg6: memref<64x64xf32, #tpu.memory_space<hbm>>, %arg7: memref<2x2048xf32, #tpu.memory_space<vmem>>, %arg8: memref<2x2048xi32, #tpu.memory_space<vmem>>, %arg9: memref<2x64xi32, #tpu.memory_space<vmem>>, %arg10: memref<2x64xf32, #tpu.memory_space<vmem>>, %arg11: memref<2x64x128xf32, #tpu.memory_space<vmem>>, %arg12: memref<!tpu.dma_semaphore, #tpu.memory_space<semaphore_mem>>, %arg13: memref<!tpu.dma_semaphore, #tpu.memory_space<semaphore_mem>>, %arg14: memref<!tpu.dma_semaphore, #tpu.memory_space<semaphore_mem>>) attributes {dimension_semantics = [#tpu.dimension_semantics<core_parallel>, #tpu.dimension_semantics<subcore_parallel>], iteration_bounds = array<i64: 2, 16>, scalar_prefetch = 0 : i64, scratch_operands = 8 : i64, tpu.core_type = #tpu.core_type<sc_vector_subcore>, window_params = [{transform_indices = #map}, {transform_indices = #map}, {transform_indices = #map}, {transform_indices = #map}, {transform_indices = #map}]} {
    %mul3A = arith.constant 2 : i32
    %mul3A_0 = arith.muli %arg1, %mul3A : i32
    %add3A = arith.addi %mul3A_0, %arg0 : i32
    %iota3A = tpu.iota {dimensions = array<i32: 0>} : vector<16xi32>
    %mul3A_1 = arith.constant 2 : i32
    %mul3A_2 = arith.muli %add3A, %mul3A_1 : i32
    %add3A_3 = arith.constant 0 : i32
    %add3A_4 = arith.addi %mul3A_2, %add3A_3 : i32
    %dma_start3A = arith.constant 0 : i32
    %dma_start3A_5 = arith.constant 0 : i32
    %dma_start3A_6 = tpu.memref_slice %arg7[%dma_start3A, %dma_start3A_5] : memref<2x2048xf32, #tpu.memory_space<vmem>> -> memref<1x2048xf32, #tpu.memory_space<vmem>>
    %dma_start3A_7 = tpu.memref_squeeze %dma_start3A_6 : memref<1x2048xf32, #tpu.memory_space<vmem>> -> memref<2048xf32, #tpu.memory_space<vmem>>
    %dma_start3A_8 = arith.constant 0 : i32
    %dma_start3A_9 = tpu.memref_slice %arg2[%add3A_4, %dma_start3A_8] : memref<64x2048xf32, #tpu.memory_space<hbm>> -> memref<1x2048xf32, #tpu.memory_space<hbm>>
    %dma_start3A_10 = tpu.memref_squeeze %dma_start3A_9 : memref<1x2048xf32, #tpu.memory_space<hbm>> -> memref<2048xf32, #tpu.memory_space<hbm>>
    %dma_start3A_11 = arith.constant 0 : i32
    %dma_start3A_12 = tpu.memref_slice %arg7[%dma_start3A, %dma_start3A_11] : memref<2x2048xf32, #tpu.memory_space<vmem>> -> memref<1x2048xf32, #tpu.memory_space<vmem>>
    %dma_start3A_13 = tpu.memref_squeeze %dma_start3A_12 : memref<1x2048xf32, #tpu.memory_space<vmem>> -> memref<2048xf32, #tpu.memory_space<vmem>>
    %dma_start3A_14 = arith.constant 0 : i32
    %dma_start3A_15 = tpu.memref_slice %arg2[%add3A_4, %dma_start3A_14] : memref<64x2048xf32, #tpu.memory_space<hbm>> -> memref<1x2048xf32, #tpu.memory_space<hbm>>
    %dma_start3A_16 = tpu.memref_squeeze %dma_start3A_15 : memref<1x2048xf32, #tpu.memory_space<hbm>> -> memref<2048xf32, #tpu.memory_space<hbm>>
    tpu.enqueue_dma source(%dma_start3A_16 : memref<2048xf32, #tpu.memory_space<hbm>>) target(%dma_start3A_13 : memref<2048xf32, #tpu.memory_space<vmem>>) target_semaphore(%arg12 : memref<!tpu.dma_semaphore, #tpu.memory_space<semaphore_mem>>)
    %add3A_17 = arith.constant 0 : i32
    %add3A_18 = arith.addi %mul3A_2, %add3A_17 : i32
    %dma_start3A_19 = arith.constant 0 : i32
    %dma_start3A_20 = arith.constant 0 : i32
    %dma_start3A_21 = tpu.memref_slice %arg8[%dma_start3A_19, %dma_start3A_20] : memref<2x2048xi32, #tpu.memory_space<vmem>> -> memref<1x2048xi32, #tpu.memory_space<vmem>>
    %dma_start3A_22 = tpu.memref_squeeze %dma_start3A_21 : memref<1x2048xi32, #tpu.memory_space<vmem>> -> memref<2048xi32, #tpu.memory_space<vmem>>
    %dma_start3A_23 = arith.constant 0 : i32
    %dma_start3A_24 = tpu.memref_slice %arg3[%add3A_18, %dma_start3A_23] : memref<64x2048xi32, #tpu.memory_space<hbm>> -> memref<1x2048xi32, #tpu.memory_space<hbm>>
    %dma_start3A_25 = tpu.memref_squeeze %dma_start3A_24 : memref<1x2048xi32, #tpu.memory_space<hbm>> -> memref<2048xi32, #tpu.memory_space<hbm>>
    %dma_start3A_26 = arith.constant 0 : i32
    %dma_start3A_27 = tpu.memref_slice %arg8[%dma_start3A_19, %dma_start3A_26] : memref<2x2048xi32, #tpu.memory_space<vmem>> -> memref<1x2048xi32, #tpu.memory_space<vmem>>
    %dma_start3A_28 = tpu.memref_squeeze %dma_start3A_27 : memref<1x2048xi32, #tpu.memory_space<vmem>> -> memref<2048xi32, #tpu.memory_space<vmem>>
    %dma_start3A_29 = arith.constant 0 : i32
    %dma_start3A_30 = tpu.memref_slice %arg3[%add3A_18, %dma_start3A_29] : memref<64x2048xi32, #tpu.memory_space<hbm>> -> memref<1x2048xi32, #tpu.memory_space<hbm>>
    %dma_start3A_31 = tpu.memref_squeeze %dma_start3A_30 : memref<1x2048xi32, #tpu.memory_space<hbm>> -> memref<2048xi32, #tpu.memory_space<hbm>>
    tpu.enqueue_dma source(%dma_start3A_31 : memref<2048xi32, #tpu.memory_space<hbm>>) target(%dma_start3A_28 : memref<2048xi32, #tpu.memory_space<vmem>>) target_semaphore(%arg12 : memref<!tpu.dma_semaphore, #tpu.memory_space<semaphore_mem>>)
    %add3A_32 = arith.constant 1 : i32
    %add3A_33 = arith.addi %mul3A_2, %add3A_32 : i32
    %dma_start3A_34 = arith.constant 1 : i32
    %dma_start3A_35 = arith.constant 0 : i32
    %dma_start3A_36 = tpu.memref_slice %arg7[%dma_start3A_34, %dma_start3A_35] : memref<2x2048xf32, #tpu.memory_space<vmem>> -> memref<1x2048xf32, #tpu.memory_space<vmem>>
    %dma_start3A_37 = tpu.memref_squeeze %dma_start3A_36 : memref<1x2048xf32, #tpu.memory_space<vmem>> -> memref<2048xf32, #tpu.memory_space<vmem>>
    %dma_start3A_38 = arith.constant 0 : i32
    %dma_start3A_39 = tpu.memref_slice %arg2[%add3A_33, %dma_start3A_38] : memref<64x2048xf32, #tpu.memory_space<hbm>> -> memref<1x2048xf32, #tpu.memory_space<hbm>>
    %dma_start3A_40 = tpu.memref_squeeze %dma_start3A_39 : memref<1x2048xf32, #tpu.memory_space<hbm>> -> memref<2048xf32, #tpu.memory_space<hbm>>
    %dma_start3A_41 = arith.constant 0 : i32
    %dma_start3A_42 = tpu.memref_slice %arg7[%dma_start3A_34, %dma_start3A_41] : memref<2x2048xf32, #tpu.memory_space<vmem>> -> memref<1x2048xf32, #tpu.memory_space<vmem>>
    %dma_start3A_43 = tpu.memref_squeeze %dma_start3A_42 : memref<1x2048xf32, #tpu.memory_space<vmem>> -> memref<2048xf32, #tpu.memory_space<vmem>>
    %dma_start3A_44 = arith.constant 0 : i32
    %dma_start3A_45 = tpu.memref_slice %arg2[%add3A_33, %dma_start3A_44] : memref<64x2048xf32, #tpu.memory_space<hbm>> -> memref<1x2048xf32, #tpu.memory_space<hbm>>
    %dma_start3A_46 = tpu.memref_squeeze %dma_start3A_45 : memref<1x2048xf32, #tpu.memory_space<hbm>> -> memref<2048xf32, #tpu.memory_space<hbm>>
    tpu.enqueue_dma source(%dma_start3A_46 : memref<2048xf32, #tpu.memory_space<hbm>>) target(%dma_start3A_43 : memref<2048xf32, #tpu.memory_space<vmem>>) target_semaphore(%arg12 : memref<!tpu.dma_semaphore, #tpu.memory_space<semaphore_mem>>)
    %add3A_47 = arith.constant 1 : i32
    %add3A_48 = arith.addi %mul3A_2, %add3A_47 : i32
    %dma_start3A_49 = arith.constant 1 : i32
    %dma_start3A_50 = arith.constant 0 : i32
    %dma_start3A_51 = tpu.memref_slice %arg8[%dma_start3A_49, %dma_start3A_50] : memref<2x2048xi32, #tpu.memory_space<vmem>> -> memref<1x2048xi32, #tpu.memory_space<vmem>>
    %dma_start3A_52 = tpu.memref_squeeze %dma_start3A_51 : memref<1x2048xi32, #tpu.memory_space<vmem>> -> memref<2048xi32, #tpu.memory_space<vmem>>
    %dma_start3A_53 = arith.constant 0 : i32
    %dma_start3A_54 = tpu.memref_slice %arg3[%add3A_48, %dma_start3A_53] : memref<64x2048xi32, #tpu.memory_space<hbm>> -> memref<1x2048xi32, #tpu.memory_space<hbm>>
    %dma_start3A_55 = tpu.memref_squeeze %dma_start3A_54 : memref<1x2048xi32, #tpu.memory_space<hbm>> -> memref<2048xi32, #tpu.memory_space<hbm>>
    %dma_start3A_56 = arith.constant 0 : i32
    %dma_start3A_57 = tpu.memref_slice %arg8[%dma_start3A_49, %dma_start3A_56] : memref<2x2048xi32, #tpu.memory_space<vmem>> -> memref<1x2048xi32, #tpu.memory_space<vmem>>
    %dma_start3A_58 = tpu.memref_squeeze %dma_start3A_57 : memref<1x2048xi32, #tpu.memory_space<vmem>> -> memref<2048xi32, #tpu.memory_space<vmem>>
    %dma_start3A_59 = arith.constant 0 : i32
    %dma_start3A_60 = tpu.memref_slice %arg3[%add3A_48, %dma_start3A_59] : memref<64x2048xi32, #tpu.memory_space<hbm>> -> memref<1x2048xi32, #tpu.memory_space<hbm>>
    %dma_start3A_61 = tpu.memref_squeeze %dma_start3A_60 : memref<1x2048xi32, #tpu.memory_space<hbm>> -> memref<2048xi32, #tpu.memory_space<hbm>>
    tpu.enqueue_dma source(%dma_start3A_61 : memref<2048xi32, #tpu.memory_space<hbm>>) target(%dma_start3A_58 : memref<2048xi32, #tpu.memory_space<vmem>>) target_semaphore(%arg12 : memref<!tpu.dma_semaphore, #tpu.memory_space<semaphore_mem>>)
    %broadcast_in_dim3A = arith.constant 0 : i32
    %broadcast_in_dim3A_62 = vector.broadcast %broadcast_in_dim3A : i32 to vector<16xi32>
    %swap3A = arith.constant 0 : i32
    %swap3A_63 = arith.index_cast %swap3A : i32 to index
    %swap3A_64 = arith.constant 0 : index
    %swap3A_65 = tpu.vector_load %arg9[%swap3A_63, %swap3A_64] {strides = array<i32>} : memref<2x64xi32, #tpu.memory_space<vmem>>, vector<16xi32>,
    tpu.vector_store %arg9[%swap3A_63, %swap3A_64], %broadcast_in_dim3A_62 {strides = array<i32>} : memref<2x64xi32, #tpu.memory_space<vmem>>, vector<16xi32>,
    %broadcast_in_dim3A_66 = arith.constant 0.000000e+00 : f32
    %broadcast_in_dim3A_67 = vector.broadcast %broadcast_in_dim3A_66 : f32 to vector<16xf32>
    %swap3A_68 = arith.constant 0 : i32
    %swap3A_69 = arith.index_cast %swap3A_68 : i32 to index
    %swap3A_70 = arith.constant 0 : index
    %swap3A_71 = tpu.vector_load %arg10[%swap3A_69, %swap3A_70] {strides = array<i32>} : memref<2x64xf32, #tpu.memory_space<vmem>>, vector<16xf32>,
    tpu.vector_store %arg10[%swap3A_69, %swap3A_70], %broadcast_in_dim3A_67 {strides = array<i32>} : memref<2x64xf32, #tpu.memory_space<vmem>>, vector<16xf32>,
    %broadcast_in_dim3A_72 = arith.constant 0 : i32
    %broadcast_in_dim3A_73 = vector.broadcast %broadcast_in_dim3A_72 : i32 to vector<16xi32>
    %swap3A_74 = arith.constant 0 : i32
    %swap3A_75 = arith.index_cast %swap3A_74 : i32 to index
    %swap3A_76 = arith.constant 16 : index
    %swap3A_77 = tpu.vector_load %arg9[%swap3A_75, %swap3A_76] {strides = array<i32>} : memref<2x64xi32, #tpu.memory_space<vmem>>, vector<16xi32>,
    tpu.vector_store %arg9[%swap3A_75, %swap3A_76], %broadcast_in_dim3A_73 {strides = array<i32>} : memref<2x64xi32, #tpu.memory_space<vmem>>, vector<16xi32>,
    %broadcast_in_dim3A_78 = arith.constant 0.000000e+00 : f32
    %broadcast_in_dim3A_79 = vector.broadcast %broadcast_in_dim3A_78 : f32 to vector<16xf32>
    %swap3A_80 = arith.constant 0 : i32
    %swap3A_81 = arith.index_cast %swap3A_80 : i32 to index
    %swap3A_82 = arith.constant 16 : index
    %swap3A_83 = tpu.vector_load %arg10[%swap3A_81, %swap3A_82] {strides = array<i32>} : memref<2x64xf32, #tpu.memory_space<vmem>>, vector<16xf32>,
    tpu.vector_store %arg10[%swap3A_81, %swap3A_82], %broadcast_in_dim3A_79 {strides = array<i32>} : memref<2x64xf32, #tpu.memory_space<vmem>>, vector<16xf32>,
    %broadcast_in_dim3A_84 = arith.constant 0 : i32
    %broadcast_in_dim3A_85 = vector.broadcast %broadcast_in_dim3A_84 : i32 to vector<16xi32>
    %swap3A_86 = arith.constant 0 : i32
    %swap3A_87 = arith.index_cast %swap3A_86 : i32 to index
    %swap3A_88 = arith.constant 32 : index
    %swap3A_89 = tpu.vector_load %arg9[%swap3A_87, %swap3A_88] {strides = array<i32>} : memref<2x64xi32, #tpu.memory_space<vmem>>, vector<16xi32>,
    tpu.vector_store %arg9[%swap3A_87, %swap3A_88], %broadcast_in_dim3A_85 {strides = array<i32>} : memref<2x64xi32, #tpu.memory_space<vmem>>, vector<16xi32>,
    %broadcast_in_dim3A_90 = arith.constant 0.000000e+00 : f32
    %broadcast_in_dim3A_91 = vector.broadcast %broadcast_in_dim3A_90 : f32 to vector<16xf32>
    %swap3A_92 = arith.constant 0 : i32
    %swap3A_93 = arith.index_cast %swap3A_92 : i32 to index
    %swap3A_94 = arith.constant 32 : index
    %swap3A_95 = tpu.vector_load %arg10[%swap3A_93, %swap3A_94] {strides = array<i32>} : memref<2x64xf32, #tpu.memory_space<vmem>>, vector<16xf32>,
    tpu.vector_store %arg10[%swap3A_93, %swap3A_94], %broadcast_in_dim3A_91 {strides = array<i32>} : memref<2x64xf32, #tpu.memory_space<vmem>>, vector<16xf32>,
    %broadcast_in_dim3A_96 = arith.constant 0 : i32
    %broadcast_in_dim3A_97 = vector.broadcast %broadcast_in_dim3A_96 : i32 to vector<16xi32>
    %swap3A_98 = arith.constant 0 : i32
    %swap3A_99 = arith.index_cast %swap3A_98 : i32 to index
    %swap3A_100 = arith.constant 48 : index
    %swap3A_101 = tpu.vector_load %arg9[%swap3A_99, %swap3A_100] {strides = array<i32>} : memref<2x64xi32, #tpu.memory_space<vmem>>, vector<16xi32>,
    tpu.vector_store %arg9[%swap3A_99, %swap3A_100], %broadcast_in_dim3A_97 {strides = array<i32>} : memref<2x64xi32, #tpu.memory_space<vmem>>, vector<16xi32>,
    %broadcast_in_dim3A_102 = arith.constant 0.000000e+00 : f32
    %broadcast_in_dim3A_103 = vector.broadcast %broadcast_in_dim3A_102 : f32 to vector<16xf32>
    %swap3A_104 = arith.constant 0 : i32
    %swap3A_105 = arith.index_cast %swap3A_104 : i32 to index
    %swap3A_106 = arith.constant 48 : index
    %swap3A_107 = tpu.vector_load %arg10[%swap3A_105, %swap3A_106] {strides = array<i32>} : memref<2x64xf32, #tpu.memory_space<vmem>>, vector<16xf32>,
    tpu.vector_store %arg10[%swap3A_105, %swap3A_106], %broadcast_in_dim3A_103 {strides = array<i32>} : memref<2x64xf32, #tpu.memory_space<vmem>>, vector<16xf32>,
    %broadcast_in_dim3A_108 = arith.constant 0 : i32
    %broadcast_in_dim3A_109 = vector.broadcast %broadcast_in_dim3A_108 : i32 to vector<16xi32>
    %swap3A_110 = arith.constant 1 : i32
    %swap3A_111 = arith.index_cast %swap3A_110 : i32 to index
    %swap3A_112 = arith.constant 0 : index
    %swap3A_113 = tpu.vector_load %arg9[%swap3A_111, %swap3A_112] {strides = array<i32>} : memref<2x64xi32, #tpu.memory_space<vmem>>, vector<16xi32>,
    tpu.vector_store %arg9[%swap3A_111, %swap3A_112], %broadcast_in_dim3A_109 {strides = array<i32>} : memref<2x64xi32, #tpu.memory_space<vmem>>, vector<16xi32>,
    %broadcast_in_dim3A_114 = arith.constant 0.000000e+00 : f32
    %broadcast_in_dim3A_115 = vector.broadcast %broadcast_in_dim3A_114 : f32 to vector<16xf32>
    %swap3A_116 = arith.constant 1 : i32
    %swap3A_117 = arith.index_cast %swap3A_116 : i32 to index
    %swap3A_118 = arith.constant 0 : index
    %swap3A_119 = tpu.vector_load %arg10[%swap3A_117, %swap3A_118] {strides = array<i32>} : memref<2x64xf32, #tpu.memory_space<vmem>>, vector<16xf32>,
    tpu.vector_store %arg10[%swap3A_117, %swap3A_118], %broadcast_in_dim3A_115 {strides = array<i32>} : memref<2x64xf32, #tpu.memory_space<vmem>>, vector<16xf32>,
    %broadcast_in_dim3A_120 = arith.constant 0 : i32
    %broadcast_in_dim3A_121 = vector.broadcast %broadcast_in_dim3A_120 : i32 to vector<16xi32>
    %swap3A_122 = arith.constant 1 : i32
    %swap3A_123 = arith.index_cast %swap3A_122 : i32 to index
    %swap3A_124 = arith.constant 16 : index
    %swap3A_125 = tpu.vector_load %arg9[%swap3A_123, %swap3A_124] {strides = array<i32>} : memref<2x64xi32, #tpu.memory_space<vmem>>, vector<16xi32>,
    tpu.vector_store %arg9[%swap3A_123, %swap3A_124], %broadcast_in_dim3A_121 {strides = array<i32>} : memref<2x64xi32, #tpu.memory_space<vmem>>, vector<16xi32>,
    %broadcast_in_dim3A_126 = arith.constant 0.000000e+00 : f32
    %broadcast_in_dim3A_127 = vector.broadcast %broadcast_in_dim3A_126 : f32 to vector<16xf32>
    %swap3A_128 = arith.constant 1 : i32
    %swap3A_129 = arith.index_cast %swap3A_128 : i32 to index
    %swap3A_130 = arith.constant 16 : index
    %swap3A_131 = tpu.vector_load %arg10[%swap3A_129, %swap3A_130] {strides = array<i32>} : memref<2x64xf32, #tpu.memory_space<vmem>>, vector<16xf32>,
    tpu.vector_store %arg10[%swap3A_129, %swap3A_130], %broadcast_in_dim3A_127 {strides = array<i32>} : memref<2x64xf32, #tpu.memory_space<vmem>>, vector<16xf32>,
    %broadcast_in_dim3A_132 = arith.constant 0 : i32
    %broadcast_in_dim3A_133 = vector.broadcast %broadcast_in_dim3A_132 : i32 to vector<16xi32>
    %swap3A_134 = arith.constant 1 : i32
    %swap3A_135 = arith.index_cast %swap3A_134 : i32 to index
    %swap3A_136 = arith.constant 32 : index
    %swap3A_137 = tpu.vector_load %arg9[%swap3A_135, %swap3A_136] {strides = array<i32>} : memref<2x64xi32, #tpu.memory_space<vmem>>, vector<16xi32>,
    tpu.vector_store %arg9[%swap3A_135, %swap3A_136], %broadcast_in_dim3A_133 {strides = array<i32>} : memref<2x64xi32, #tpu.memory_space<vmem>>, vector<16xi32>,
    %broadcast_in_dim3A_138 = arith.constant 0.000000e+00 : f32
    %broadcast_in_dim3A_139 = vector.broadcast %broadcast_in_dim3A_138 : f32 to vector<16xf32>
    %swap3A_140 = arith.constant 1 : i32
    %swap3A_141 = arith.index_cast %swap3A_140 : i32 to index
    %swap3A_142 = arith.constant 32 : index
    %swap3A_143 = tpu.vector_load %arg10[%swap3A_141, %swap3A_142] {strides = array<i32>} : memref<2x64xf32, #tpu.memory_space<vmem>>, vector<16xf32>,
    tpu.vector_store %arg10[%swap3A_141, %swap3A_142], %broadcast_in_dim3A_139 {strides = array<i32>} : memref<2x64xf32, #tpu.memory_space<vmem>>, vector<16xf32>,
    %broadcast_in_dim3A_144 = arith.constant 0 : i32
    %broadcast_in_dim3A_145 = vector.broadcast %broadcast_in_dim3A_144 : i32 to vector<16xi32>
    %swap3A_146 = arith.constant 1 : i32
    %swap3A_147 = arith.index_cast %swap3A_146 : i32 to index
    %swap3A_148 = arith.constant 48 : index
    %swap3A_149 = tpu.vector_load %arg9[%swap3A_147, %swap3A_148] {strides = array<i32>} : memref<2x64xi32, #tpu.memory_space<vmem>>, vector<16xi32>,
    tpu.vector_store %arg9[%swap3A_147, %swap3A_148], %broadcast_in_dim3A_145 {strides = array<i32>} : memref<2x64xi32, #tpu.memory_space<vmem>>, vector<16xi32>,
    %broadcast_in_dim3A_150 = arith.constant 0.000000e+00 : f32
    %broadcast_in_dim3A_151 = vector.broadcast %broadcast_in_dim3A_150 : f32 to vector<16xf32>
    %swap3A_152 = arith.constant 1 : i32
    %swap3A_153 = arith.index_cast %swap3A_152 : i32 to index
    %swap3A_154 = arith.constant 48 : index
    %swap3A_155 = tpu.vector_load %arg10[%swap3A_153, %swap3A_154] {strides = array<i32>} : memref<2x64xf32, #tpu.memory_space<vmem>>, vector<16xf32>,
    tpu.vector_store %arg10[%swap3A_153, %swap3A_154], %broadcast_in_dim3A_151 {strides = array<i32>} : memref<2x64xf32, #tpu.memory_space<vmem>>, vector<16xf32>,
    %dma_wait3A = arith.constant 0 : i32
    %dma_wait3A_156 = arith.constant 0 : i32
    %dma_wait3A_157 = tpu.memref_slice %arg7[%dma_wait3A, %dma_wait3A_156] : memref<2x2048xf32, #tpu.memory_space<vmem>> -> memref<1x2048xf32, #tpu.memory_space<vmem>>
    %dma_wait3A_158 = tpu.memref_squeeze %dma_wait3A_157 : memref<1x2048xf32, #tpu.memory_space<vmem>> -> memref<2048xf32, #tpu.memory_space<vmem>>
    %dma_wait3A_159 = arith.constant 0 : i32
    %dma_wait3A_160 = tpu.memref_slice %arg2[%add3A_4, %dma_wait3A_159] : memref<64x2048xf32, #tpu.memory_space<hbm>> -> memref<1x2048xf32, #tpu.memory_space<hbm>>
    %dma_wait3A_161 = tpu.memref_squeeze %dma_wait3A_160 : memref<1x2048xf32, #tpu.memory_space<hbm>> -> memref<2048xf32, #tpu.memory_space<hbm>>
    %dma_wait3A_162 = arith.constant 0 : i32
    %dma_wait3A_163 = tpu.memref_slice %arg7[%dma_wait3A, %dma_wait3A_162] : memref<2x2048xf32, #tpu.memory_space<vmem>> -> memref<1x2048xf32, #tpu.memory_space<vmem>>
    %dma_wait3A_164 = tpu.memref_squeeze %dma_wait3A_163 : memref<1x2048xf32, #tpu.memory_space<vmem>> -> memref<2048xf32, #tpu.memory_space<vmem>>
    %dma_wait3A_165 = arith.constant 0 : i32
    %dma_wait3A_166 = tpu.memref_slice %arg2[%add3A_4, %dma_wait3A_165] : memref<64x2048xf32, #tpu.memory_space<hbm>> -> memref<1x2048xf32, #tpu.memory_space<hbm>>
    %dma_wait3A_167 = tpu.memref_squeeze %dma_wait3A_166 : memref<1x2048xf32, #tpu.memory_space<hbm>> -> memref<2048xf32, #tpu.memory_space<hbm>>
    tpu.wait_dma2 semaphore(%arg12 : memref<!tpu.dma_semaphore, #tpu.memory_space<semaphore_mem>>) src(%dma_wait3A_167 : memref<2048xf32, #tpu.memory_space<hbm>>) dst(%dma_wait3A_164 : memref<2048xf32, #tpu.memory_space<vmem>>)
    %dma_wait3A_168 = arith.constant 0 : i32
    %dma_wait3A_169 = arith.constant 0 : i32
    %dma_wait3A_170 = tpu.memref_slice %arg8[%dma_wait3A_168, %dma_wait3A_169] : memref<2x2048xi32, #tpu.memory_space<vmem>> -> memref<1x2048xi32, #tpu.memory_space<vmem>>
    %dma_wait3A_171 = tpu.memref_squeeze %dma_wait3A_170 : memref<1x2048xi32, #tpu.memory_space<vmem>> -> memref<2048xi32, #tpu.memory_space<vmem>>
    %dma_wait3A_172 = arith.constant 0 : i32
    %dma_wait3A_173 = tpu.memref_slice %arg3[%add3A_18, %dma_wait3A_172] : memref<64x2048xi32, #tpu.memory_space<hbm>> -> memref<1x2048xi32, #tpu.memory_space<hbm>>
    %dma_wait3A_174 = tpu.memref_squeeze %dma_wait3A_173 : memref<1x2048xi32, #tpu.memory_space<hbm>> -> memref<2048xi32, #tpu.memory_space<hbm>>
    %dma_wait3A_175 = arith.constant 0 : i32
    %dma_wait3A_176 = tpu.memref_slice %arg8[%dma_wait3A_168, %dma_wait3A_175] : memref<2x2048xi32, #tpu.memory_space<vmem>> -> memref<1x2048xi32, #tpu.memory_space<vmem>>
    %dma_wait3A_177 = tpu.memref_squeeze %dma_wait3A_176 : memref<1x2048xi32, #tpu.memory_space<vmem>> -> memref<2048xi32, #tpu.memory_space<vmem>>
    %dma_wait3A_178 = arith.constant 0 : i32
    %dma_wait3A_179 = tpu.memref_slice %arg3[%add3A_18, %dma_wait3A_178] : memref<64x2048xi32, #tpu.memory_space<hbm>> -> memref<1x2048xi32, #tpu.memory_space<hbm>>
    %dma_wait3A_180 = tpu.memref_squeeze %dma_wait3A_179 : memref<1x2048xi32, #tpu.memory_space<hbm>> -> memref<2048xi32, #tpu.memory_space<hbm>>
    tpu.wait_dma2 semaphore(%arg12 : memref<!tpu.dma_semaphore, #tpu.memory_space<semaphore_mem>>) src(%dma_wait3A_180 : memref<2048xi32, #tpu.memory_space<hbm>>) dst(%dma_wait3A_177 : memref<2048xi32, #tpu.memory_space<vmem>>)
    %dma_wait3A_181 = arith.constant 1 : i32
    %dma_wait3A_182 = arith.constant 0 : i32
    %dma_wait3A_183 = tpu.memref_slice %arg7[%dma_wait3A_181, %dma_wait3A_182] : memref<2x2048xf32, #tpu.memory_space<vmem>> -> memref<1x2048xf32, #tpu.memory_space<vmem>>
    %dma_wait3A_184 = tpu.memref_squeeze %dma_wait3A_183 : memref<1x2048xf32, #tpu.memory_space<vmem>> -> memref<2048xf32, #tpu.memory_space<vmem>>
    %dma_wait3A_185 = arith.constant 0 : i32
    %dma_wait3A_186 = tpu.memref_slice %arg2[%add3A_33, %dma_wait3A_185] : memref<64x2048xf32, #tpu.memory_space<hbm>> -> memref<1x2048xf32, #tpu.memory_space<hbm>>
    %dma_wait3A_187 = tpu.memref_squeeze %dma_wait3A_186 : memref<1x2048xf32, #tpu.memory_space<hbm>> -> memref<2048xf32, #tpu.memory_space<hbm>>
    %dma_wait3A_188 = arith.constant 0 : i32
    %dma_wait3A_189 = tpu.memref_slice %arg7[%dma_wait3A_181, %dma_wait3A_188] : memref<2x2048xf32, #tpu.memory_space<vmem>> -> memref<1x2048xf32, #tpu.memory_space<vmem>>
    %dma_wait3A_190 = tpu.memref_squeeze %dma_wait3A_189 : memref<1x2048xf32, #tpu.memory_space<vmem>> -> memref<2048xf32, #tpu.memory_space<vmem>>
    %dma_wait3A_191 = arith.constant 0 : i32
    %dma_wait3A_192 = tpu.memref_slice %arg2[%add3A_33, %dma_wait3A_191] : memref<64x2048xf32, #tpu.memory_space<hbm>> -> memref<1x2048xf32, #tpu.memory_space<hbm>>
    %dma_wait3A_193 = tpu.memref_squeeze %dma_wait3A_192 : memref<1x2048xf32, #tpu.memory_space<hbm>> -> memref<2048xf32, #tpu.memory_space<hbm>>
    tpu.wait_dma2 semaphore(%arg12 : memref<!tpu.dma_semaphore, #tpu.memory_space<semaphore_mem>>) src(%dma_wait3A_193 : memref<2048xf32, #tpu.memory_space<hbm>>) dst(%dma_wait3A_190 : memref<2048xf32, #tpu.memory_space<vmem>>)
    %dma_wait3A_194 = arith.constant 1 : i32
    %dma_wait3A_195 = arith.constant 0 : i32
    %dma_wait3A_196 = tpu.memref_slice %arg8[%dma_wait3A_194, %dma_wait3A_195] : memref<2x2048xi32, #tpu.memory_space<vmem>> -> memref<1x2048xi32, #tpu.memory_space<vmem>>
    %dma_wait3A_197 = tpu.memref_squeeze %dma_wait3A_196 : memref<1x2048xi32, #tpu.memory_space<vmem>> -> memref<2048xi32, #tpu.memory_space<vmem>>
    %dma_wait3A_198 = arith.constant 0 : i32
    %dma_wait3A_199 = tpu.memref_slice %arg3[%add3A_48, %dma_wait3A_198] : memref<64x2048xi32, #tpu.memory_space<hbm>> -> memref<1x2048xi32, #tpu.memory_space<hbm>>
    %dma_wait3A_200 = tpu.memref_squeeze %dma_wait3A_199 : memref<1x2048xi32, #tpu.memory_space<hbm>> -> memref<2048xi32, #tpu.memory_space<hbm>>
    %dma_wait3A_201 = arith.constant 0 : i32
    %dma_wait3A_202 = tpu.memref_slice %arg8[%dma_wait3A_194, %dma_wait3A_201] : memref<2x2048xi32, #tpu.memory_space<vmem>> -> memref<1x2048xi32, #tpu.memory_space<vmem>>
    %dma_wait3A_203 = tpu.memref_squeeze %dma_wait3A_202 : memref<1x2048xi32, #tpu.memory_space<vmem>> -> memref<2048xi32, #tpu.memory_space<vmem>>
    %dma_wait3A_204 = arith.constant 0 : i32
    %dma_wait3A_205 = tpu.memref_slice %arg3[%add3A_48, %dma_wait3A_204] : memref<64x2048xi32, #tpu.memory_space<hbm>> -> memref<1x2048xi32, #tpu.memory_space<hbm>>
    %dma_wait3A_206 = tpu.memref_squeeze %dma_wait3A_205 : memref<1x2048xi32, #tpu.memory_space<hbm>> -> memref<2048xi32, #tpu.memory_space<hbm>>
    tpu.wait_dma2 semaphore(%arg12 : memref<!tpu.dma_semaphore, #tpu.memory_space<semaphore_mem>>) src(%dma_wait3A_206 : memref<2048xi32, #tpu.memory_space<hbm>>) dst(%dma_wait3A_203 : memref<2048xi32, #tpu.memory_space<vmem>>)
    %add3A_207 = arith.constant 0 : i32
    %add3A_208 = arith.addi %mul3A_2, %add3A_207 : i32
    %scan3A = arith.constant 0 : i32
    %scan3A_209 = arith.constant 0 : i32
    %scan3A_210 = arith.constant 32 : i32
    %scan3A_211 = arith.addi %scan3A_209, %scan3A_210 : i32
    %scan3A_212 = arith.constant 1 : i32
    scf.for %scan3A_382 = %scan3A_209 to %scan3A_211 step %scan3A_212  : i32 {
      %mul3A_383 = arith.constant 4 : i32
      %mul3A_384 = arith.muli %scan3A_382, %mul3A_383 : i32
      %add3A_385 = arith.constant 0 : i32
      %add3A_386 = arith.addi %mul3A_384, %add3A_385 : i32
      %mul3A_387 = arith.constant 16 : i32
      %mul3A_388 = arith.muli %add3A_386, %mul3A_387 : i32
      %get3A = arith.constant 0 : i32
      %get3A_389 = arith.index_cast %get3A : i32 to index
      %get3A_390 = arith.index_cast %mul3A_388 : i32 to index
      %get3A_391 = tpu.vector_load %arg7[%get3A_389, %get3A_390] {strides = array<i32>} : memref<2x2048xf32, #tpu.memory_space<vmem>>, vector<16xf32>,
      %mul3A_392 = arith.constant 16 : i32
      %mul3A_393 = arith.muli %add3A_386, %mul3A_392 : i32
      %get3A_394 = arith.constant 0 : i32
      %get3A_395 = arith.index_cast %get3A_394 : i32 to index
      %get3A_396 = arith.index_cast %mul3A_393 : i32 to index
      %get3A_397 = tpu.vector_load %arg8[%get3A_395, %get3A_396] {strides = array<i32>} : memref<2x2048xi32, #tpu.memory_space<vmem>>, vector<16xi32>,
      %gt3A = arith.constant 0.000000e+00 : f32
      %gt3A_398 = vector.broadcast %gt3A : f32 to vector<16xf32>
      %gt3A_399 = arith.cmpf ogt, %get3A_391, %gt3A_398 : vector<16xf32>
      %mul3A_400 = arith.constant 2048 : i32
      %mul3A_401 = arith.muli %add3A_208, %mul3A_400 : i32
      %mul3A_402 = arith.constant 16 : i32
      %mul3A_403 = arith.muli %add3A_386, %mul3A_402 : i32
      %add3A_404 = arith.addi %mul3A_401, %mul3A_403 : i32
      %add3A_405 = vector.broadcast %add3A_404 : i32 to vector<16xi32>
      %add3A_406 = arith.addi %add3A_405, %iota3A : vector<16xi32>
      %scatter3A = arith.constant 0 : i32
      %scatter3A_407 = arith.constant 0 : i32
      %scatter3A_408 = tpu.memref_slice %arg9[%scatter3A, %scatter3A_407] : memref<2x64xi32, #tpu.memory_space<vmem>> -> memref<1x64xi32, #tpu.memory_space<vmem>>
      %scatter3A_409 = tpu.memref_squeeze %scatter3A_408 : memref<1x64xi32, #tpu.memory_space<vmem>> -> memref<64xi32, #tpu.memory_space<vmem>>
      tpu.vector_store_idx %scatter3A_409[%get3A_397], %add3A_406 masked %gt3A_399 : memref<64xi32, #tpu.memory_space<vmem>>[vector<16xi32>], vector<16xi32>, vector<16xi1>
      %scatter3A_410 = arith.constant 0 : i32
      %scatter3A_411 = arith.constant 0 : i32
      %scatter3A_412 = tpu.memref_slice %arg10[%scatter3A_410, %scatter3A_411] : memref<2x64xf32, #tpu.memory_space<vmem>> -> memref<1x64xf32, #tpu.memory_space<vmem>>
      %scatter3A_413 = tpu.memref_squeeze %scatter3A_412 : memref<1x64xf32, #tpu.memory_space<vmem>> -> memref<64xf32, #tpu.memory_space<vmem>>
      tpu.vector_store_idx %scatter3A_413[%get3A_397], %get3A_391 masked %gt3A_399 : memref<64xf32, #tpu.memory_space<vmem>>[vector<16xi32>], vector<16xf32>, vector<16xi1>
      %mul3A_414 = arith.constant 4 : i32
      %mul3A_415 = arith.muli %scan3A_382, %mul3A_414 : i32
      %add3A_416 = arith.constant 1 : i32
      %add3A_417 = arith.addi %mul3A_415, %add3A_416 : i32
      %mul3A_418 = arith.constant 16 : i32
      %mul3A_419 = arith.muli %add3A_417, %mul3A_418 : i32
      %get3A_420 = arith.constant 0 : i32
      %get3A_421 = arith.index_cast %get3A_420 : i32 to index
      %get3A_422 = arith.index_cast %mul3A_419 : i32 to index
      %get3A_423 = tpu.vector_load %arg7[%get3A_421, %get3A_422] {strides = array<i32>} : memref<2x2048xf32, #tpu.memory_space<vmem>>, vector<16xf32>,
      %mul3A_424 = arith.constant 16 : i32
      %mul3A_425 = arith.muli %add3A_417, %mul3A_424 : i32
      %get3A_426 = arith.constant 0 : i32
      %get3A_427 = arith.index_cast %get3A_426 : i32 to index
      %get3A_428 = arith.index_cast %mul3A_425 : i32 to index
      %get3A_429 = tpu.vector_load %arg8[%get3A_427, %get3A_428] {strides = array<i32>} : memref<2x2048xi32, #tpu.memory_space<vmem>>, vector<16xi32>,
      %gt3A_430 = arith.constant 0.000000e+00 : f32
      %gt3A_431 = vector.broadcast %gt3A_430 : f32 to vector<16xf32>
      %gt3A_432 = arith.cmpf ogt, %get3A_423, %gt3A_431 : vector<16xf32>
      %mul3A_433 = arith.constant 2048 : i32
      %mul3A_434 = arith.muli %add3A_208, %mul3A_433 : i32
      %mul3A_435 = arith.constant 16 : i32
      %mul3A_436 = arith.muli %add3A_417, %mul3A_435 : i32
      %add3A_437 = arith.addi %mul3A_434, %mul3A_436 : i32
      %add3A_438 = vector.broadcast %add3A_437 : i32 to vector<16xi32>
      %add3A_439 = arith.addi %add3A_438, %iota3A : vector<16xi32>
      %scatter3A_440 = arith.constant 0 : i32
      %scatter3A_441 = arith.constant 0 : i32
      %scatter3A_442 = tpu.memref_slice %arg9[%scatter3A_440, %scatter3A_441] : memref<2x64xi32, #tpu.memory_space<vmem>> -> memref<1x64xi32, #tpu.memory_space<vmem>>
      %scatter3A_443 = tpu.memref_squeeze %scatter3A_442 : memref<1x64xi32, #tpu.memory_space<vmem>> -> memref<64xi32, #tpu.memory_space<vmem>>
      tpu.vector_store_idx %scatter3A_443[%get3A_429], %add3A_439 masked %gt3A_432 : memref<64xi32, #tpu.memory_space<vmem>>[vector<16xi32>], vector<16xi32>, vector<16xi1>
      %scatter3A_444 = arith.constant 0 : i32
      %scatter3A_445 = arith.constant 0 : i32
      %scatter3A_446 = tpu.memref_slice %arg10[%scatter3A_444, %scatter3A_445] : memref<2x64xf32, #tpu.memory_space<vmem>> -> memref<1x64xf32, #tpu.memory_space<vmem>>
      %scatter3A_447 = tpu.memref_squeeze %scatter3A_446 : memref<1x64xf32, #tpu.memory_space<vmem>> -> memref<64xf32, #tpu.memory_space<vmem>>
      tpu.vector_store_idx %scatter3A_447[%get3A_429], %get3A_423 masked %gt3A_432 : memref<64xf32, #tpu.memory_space<vmem>>[vector<16xi32>], vector<16xf32>, vector<16xi1>
      %mul3A_448 = arith.constant 4 : i32
      %mul3A_449 = arith.muli %scan3A_382, %mul3A_448 : i32
      %add3A_450 = arith.constant 2 : i32
      %add3A_451 = arith.addi %mul3A_449, %add3A_450 : i32
      %mul3A_452 = arith.constant 16 : i32
      %mul3A_453 = arith.muli %add3A_451, %mul3A_452 : i32
      %get3A_454 = arith.constant 0 : i32
      %get3A_455 = arith.index_cast %get3A_454 : i32 to index
      %get3A_456 = arith.index_cast %mul3A_453 : i32 to index
      %get3A_457 = tpu.vector_load %arg7[%get3A_455, %get3A_456] {strides = array<i32>} : memref<2x2048xf32, #tpu.memory_space<vmem>>, vector<16xf32>,
      %mul3A_458 = arith.constant 16 : i32
      %mul3A_459 = arith.muli %add3A_451, %mul3A_458 : i32
      %get3A_460 = arith.constant 0 : i32
      %get3A_461 = arith.index_cast %get3A_460 : i32 to index
      %get3A_462 = arith.index_cast %mul3A_459 : i32 to index
      %get3A_463 = tpu.vector_load %arg8[%get3A_461, %get3A_462] {strides = array<i32>} : memref<2x2048xi32, #tpu.memory_space<vmem>>, vector<16xi32>,
      %gt3A_464 = arith.constant 0.000000e+00 : f32
      %gt3A_465 = vector.broadcast %gt3A_464 : f32 to vector<16xf32>
      %gt3A_466 = arith.cmpf ogt, %get3A_457, %gt3A_465 : vector<16xf32>
      %mul3A_467 = arith.constant 2048 : i32
      %mul3A_468 = arith.muli %add3A_208, %mul3A_467 : i32
      %mul3A_469 = arith.constant 16 : i32
      %mul3A_470 = arith.muli %add3A_451, %mul3A_469 : i32
      %add3A_471 = arith.addi %mul3A_468, %mul3A_470 : i32
      %add3A_472 = vector.broadcast %add3A_471 : i32 to vector<16xi32>
      %add3A_473 = arith.addi %add3A_472, %iota3A : vector<16xi32>
      %scatter3A_474 = arith.constant 0 : i32
      %scatter3A_475 = arith.constant 0 : i32
      %scatter3A_476 = tpu.memref_slice %arg9[%scatter3A_474, %scatter3A_475] : memref<2x64xi32, #tpu.memory_space<vmem>> -> memref<1x64xi32, #tpu.memory_space<vmem>>
      %scatter3A_477 = tpu.memref_squeeze %scatter3A_476 : memref<1x64xi32, #tpu.memory_space<vmem>> -> memref<64xi32, #tpu.memory_space<vmem>>
      tpu.vector_store_idx %scatter3A_477[%get3A_463], %add3A_473 masked %gt3A_466 : memref<64xi32, #tpu.memory_space<vmem>>[vector<16xi32>], vector<16xi32>, vector<16xi1>
      %scatter3A_478 = arith.constant 0 : i32
      %scatter3A_479 = arith.constant 0 : i32
      %scatter3A_480 = tpu.memref_slice %arg10[%scatter3A_478, %scatter3A_479] : memref<2x64xf32, #tpu.memory_space<vmem>> -> memref<1x64xf32, #tpu.memory_space<vmem>>
      %scatter3A_481 = tpu.memref_squeeze %scatter3A_480 : memref<1x64xf32, #tpu.memory_space<vmem>> -> memref<64xf32, #tpu.memory_space<vmem>>
      tpu.vector_store_idx %scatter3A_481[%get3A_463], %get3A_457 masked %gt3A_466 : memref<64xf32, #tpu.memory_space<vmem>>[vector<16xi32>], vector<16xf32>, vector<16xi1>
      %mul3A_482 = arith.constant 4 : i32
      %mul3A_483 = arith.muli %scan3A_382, %mul3A_482 : i32
      %add3A_484 = arith.constant 3 : i32
      %add3A_485 = arith.addi %mul3A_483, %add3A_484 : i32
      %mul3A_486 = arith.constant 16 : i32
      %mul3A_487 = arith.muli %add3A_485, %mul3A_486 : i32
      %get3A_488 = arith.constant 0 : i32
      %get3A_489 = arith.index_cast %get3A_488 : i32 to index
      %get3A_490 = arith.index_cast %mul3A_487 : i32 to index
      %get3A_491 = tpu.vector_load %arg7[%get3A_489, %get3A_490] {strides = array<i32>} : memref<2x2048xf32, #tpu.memory_space<vmem>>, vector<16xf32>,
      %mul3A_492 = arith.constant 16 : i32
      %mul3A_493 = arith.muli %add3A_485, %mul3A_492 : i32
      %get3A_494 = arith.constant 0 : i32
      %get3A_495 = arith.index_cast %get3A_494 : i32 to index
      %get3A_496 = arith.index_cast %mul3A_493 : i32 to index
      %get3A_497 = tpu.vector_load %arg8[%get3A_495, %get3A_496] {strides = array<i32>} : memref<2x2048xi32, #tpu.memory_space<vmem>>, vector<16xi32>,
      %gt3A_498 = arith.constant 0.000000e+00 : f32
      %gt3A_499 = vector.broadcast %gt3A_498 : f32 to vector<16xf32>
      %gt3A_500 = arith.cmpf ogt, %get3A_491, %gt3A_499 : vector<16xf32>
      %mul3A_501 = arith.constant 2048 : i32
      %mul3A_502 = arith.muli %add3A_208, %mul3A_501 : i32
      %mul3A_503 = arith.constant 16 : i32
      %mul3A_504 = arith.muli %add3A_485, %mul3A_503 : i32
      %add3A_505 = arith.addi %mul3A_502, %mul3A_504 : i32
      %add3A_506 = vector.broadcast %add3A_505 : i32 to vector<16xi32>
      %add3A_507 = arith.addi %add3A_506, %iota3A : vector<16xi32>
      %scatter3A_508 = arith.constant 0 : i32
      %scatter3A_509 = arith.constant 0 : i32
      %scatter3A_510 = tpu.memref_slice %arg9[%scatter3A_508, %scatter3A_509] : memref<2x64xi32, #tpu.memory_space<vmem>> -> memref<1x64xi32, #tpu.memory_space<vmem>>
      %scatter3A_511 = tpu.memref_squeeze %scatter3A_510 : memref<1x64xi32, #tpu.memory_space<vmem>> -> memref<64xi32, #tpu.memory_space<vmem>>
      tpu.vector_store_idx %scatter3A_511[%get3A_497], %add3A_507 masked %gt3A_500 : memref<64xi32, #tpu.memory_space<vmem>>[vector<16xi32>], vector<16xi32>, vector<16xi1>
      %scatter3A_512 = arith.constant 0 : i32
      %scatter3A_513 = arith.constant 0 : i32
      %scatter3A_514 = tpu.memref_slice %arg10[%scatter3A_512, %scatter3A_513] : memref<2x64xf32, #tpu.memory_space<vmem>> -> memref<1x64xf32, #tpu.memory_space<vmem>>
      %scatter3A_515 = tpu.memref_squeeze %scatter3A_514 : memref<1x64xf32, #tpu.memory_space<vmem>> -> memref<64xf32, #tpu.memory_space<vmem>>
      tpu.vector_store_idx %scatter3A_515[%get3A_497], %get3A_491 masked %gt3A_500 : memref<64xf32, #tpu.memory_space<vmem>>[vector<16xi32>], vector<16xf32>, vector<16xi1>
    }
    %scan3A_213 = arith.constant 32 : i32
    %dma_start3A_214 = arith.constant 0 : i32
    %dma_start3A_215 = arith.constant 0 : i32
    %dma_start3A_216 = arith.constant 0 : i32
    %dma_start3A_217 = arith.constant 0 : i32
    %dma_start3A_218 = tpu.memref_slice %arg11[%dma_start3A_215, %dma_start3A_216, %dma_start3A_217] : memref<2x64x128xf32, #tpu.memory_space<vmem>> -> memref<1x64x128xf32, #tpu.memory_space<vmem>>
    %dma_start3A_219 = tpu.memref_squeeze %dma_start3A_218 : memref<1x64x128xf32, #tpu.memory_space<vmem>> -> memref<64x128xf32, #tpu.memory_space<vmem>>
    %dma_start3A_220 = arith.constant 0 : i32
    %dma_start3A_221 = tpu.memref_slice %arg9[%dma_start3A_214, %dma_start3A_220] : memref<2x64xi32, #tpu.memory_space<vmem>> -> memref<1x64xi32, #tpu.memory_space<vmem>>
    %dma_start3A_222 = tpu.memref_squeeze %dma_start3A_221 : memref<1x64xi32, #tpu.memory_space<vmem>> -> memref<64xi32, #tpu.memory_space<vmem>>
    %dma_start3A_223 = arith.constant 0 : i32
    %dma_start3A_224 = arith.constant 0 : i32
    %dma_start3A_225 = tpu.memref_slice %arg4[%dma_start3A_223, %dma_start3A_224] : memref<131072x128xf32, #tpu.memory_space<hbm>> -> memref<131072x128xf32, #tpu.memory_space<hbm>>
    tpu.enqueue_indirect_dma source(%dma_start3A_225 : memref<131072x128xf32, #tpu.memory_space<hbm>>) target(%dma_start3A_219 : memref<64x128xf32, #tpu.memory_space<vmem>>) offsets(%dma_start3A_222 : memref<64xi32, #tpu.memory_space<vmem>>) semaphore(%arg13 : memref<!tpu.dma_semaphore, #tpu.memory_space<semaphore_mem>>)
    %add3A_226 = arith.constant 1 : i32
    %add3A_227 = arith.addi %mul3A_2, %add3A_226 : i32
    %scan3A_228 = arith.constant 0 : i32
    %scan3A_229 = arith.constant 0 : i32
    %scan3A_230 = arith.constant 32 : i32
    %scan3A_231 = arith.addi %scan3A_229, %scan3A_230 : i32
    %scan3A_232 = arith.constant 1 : i32
    scf.for %scan3A_382 = %scan3A_229 to %scan3A_231 step %scan3A_232  : i32 {
      %mul3A_383 = arith.constant 4 : i32
      %mul3A_384 = arith.muli %scan3A_382, %mul3A_383 : i32
      %add3A_385 = arith.constant 0 : i32
      %add3A_386 = arith.addi %mul3A_384, %add3A_385 : i32
      %mul3A_387 = arith.constant 16 : i32
      %mul3A_388 = arith.muli %add3A_386, %mul3A_387 : i32
      %get3A = arith.constant 1 : i32
      %get3A_389 = arith.index_cast %get3A : i32 to index
      %get3A_390 = arith.index_cast %mul3A_388 : i32 to index
      %get3A_391 = tpu.vector_load %arg7[%get3A_389, %get3A_390] {strides = array<i32>} : memref<2x2048xf32, #tpu.memory_space<vmem>>, vector<16xf32>,
      %mul3A_392 = arith.constant 16 : i32
      %mul3A_393 = arith.muli %add3A_386, %mul3A_392 : i32
      %get3A_394 = arith.constant 1 : i32
      %get3A_395 = arith.index_cast %get3A_394 : i32 to index
      %get3A_396 = arith.index_cast %mul3A_393 : i32 to index
      %get3A_397 = tpu.vector_load %arg8[%get3A_395, %get3A_396] {strides = array<i32>} : memref<2x2048xi32, #tpu.memory_space<vmem>>, vector<16xi32>,
      %gt3A = arith.constant 0.000000e+00 : f32
      %gt3A_398 = vector.broadcast %gt3A : f32 to vector<16xf32>
      %gt3A_399 = arith.cmpf ogt, %get3A_391, %gt3A_398 : vector<16xf32>
      %mul3A_400 = arith.constant 2048 : i32
      %mul3A_401 = arith.muli %add3A_227, %mul3A_400 : i32
      %mul3A_402 = arith.constant 16 : i32
      %mul3A_403 = arith.muli %add3A_386, %mul3A_402 : i32
      %add3A_404 = arith.addi %mul3A_401, %mul3A_403 : i32
      %add3A_405 = vector.broadcast %add3A_404 : i32 to vector<16xi32>
      %add3A_406 = arith.addi %add3A_405, %iota3A : vector<16xi32>
      %scatter3A = arith.constant 1 : i32
      %scatter3A_407 = arith.constant 0 : i32
      %scatter3A_408 = tpu.memref_slice %arg9[%scatter3A, %scatter3A_407] : memref<2x64xi32, #tpu.memory_space<vmem>> -> memref<1x64xi32, #tpu.memory_space<vmem>>
      %scatter3A_409 = tpu.memref_squeeze %scatter3A_408 : memref<1x64xi32, #tpu.memory_space<vmem>> -> memref<64xi32, #tpu.memory_space<vmem>>
      tpu.vector_store_idx %scatter3A_409[%get3A_397], %add3A_406 masked %gt3A_399 : memref<64xi32, #tpu.memory_space<vmem>>[vector<16xi32>], vector<16xi32>, vector<16xi1>
      %scatter3A_410 = arith.constant 1 : i32
      %scatter3A_411 = arith.constant 0 : i32
      %scatter3A_412 = tpu.memref_slice %arg10[%scatter3A_410, %scatter3A_411] : memref<2x64xf32, #tpu.memory_space<vmem>> -> memref<1x64xf32, #tpu.memory_space<vmem>>
      %scatter3A_413 = tpu.memref_squeeze %scatter3A_412 : memref<1x64xf32, #tpu.memory_space<vmem>> -> memref<64xf32, #tpu.memory_space<vmem>>
      tpu.vector_store_idx %scatter3A_413[%get3A_397], %get3A_391 masked %gt3A_399 : memref<64xf32, #tpu.memory_space<vmem>>[vector<16xi32>], vector<16xf32>, vector<16xi1>
      %mul3A_414 = arith.constant 4 : i32
      %mul3A_415 = arith.muli %scan3A_382, %mul3A_414 : i32
      %add3A_416 = arith.constant 1 : i32
      %add3A_417 = arith.addi %mul3A_415, %add3A_416 : i32
      %mul3A_418 = arith.constant 16 : i32
      %mul3A_419 = arith.muli %add3A_417, %mul3A_418 : i32
      %get3A_420 = arith.constant 1 : i32
      %get3A_421 = arith.index_cast %get3A_420 : i32 to index
      %get3A_422 = arith.index_cast %mul3A_419 : i32 to index
      %get3A_423 = tpu.vector_load %arg7[%get3A_421, %get3A_422] {strides = array<i32>} : memref<2x2048xf32, #tpu.memory_space<vmem>>, vector<16xf32>,
      %mul3A_424 = arith.constant 16 : i32
      %mul3A_425 = arith.muli %add3A_417, %mul3A_424 : i32
      %get3A_426 = arith.constant 1 : i32
      %get3A_427 = arith.index_cast %get3A_426 : i32 to index
      %get3A_428 = arith.index_cast %mul3A_425 : i32 to index
      %get3A_429 = tpu.vector_load %arg8[%get3A_427, %get3A_428] {strides = array<i32>} : memref<2x2048xi32, #tpu.memory_space<vmem>>, vector<16xi32>,
      %gt3A_430 = arith.constant 0.000000e+00 : f32
      %gt3A_431 = vector.broadcast %gt3A_430 : f32 to vector<16xf32>
      %gt3A_432 = arith.cmpf ogt, %get3A_423, %gt3A_431 : vector<16xf32>
      %mul3A_433 = arith.constant 2048 : i32
      %mul3A_434 = arith.muli %add3A_227, %mul3A_433 : i32
      %mul3A_435 = arith.constant 16 : i32
      %mul3A_436 = arith.muli %add3A_417, %mul3A_435 : i32
      %add3A_437 = arith.addi %mul3A_434, %mul3A_436 : i32
      %add3A_438 = vector.broadcast %add3A_437 : i32 to vector<16xi32>
      %add3A_439 = arith.addi %add3A_438, %iota3A : vector<16xi32>
      %scatter3A_440 = arith.constant 1 : i32
      %scatter3A_441 = arith.constant 0 : i32
      %scatter3A_442 = tpu.memref_slice %arg9[%scatter3A_440, %scatter3A_441] : memref<2x64xi32, #tpu.memory_space<vmem>> -> memref<1x64xi32, #tpu.memory_space<vmem>>
      %scatter3A_443 = tpu.memref_squeeze %scatter3A_442 : memref<1x64xi32, #tpu.memory_space<vmem>> -> memref<64xi32, #tpu.memory_space<vmem>>
      tpu.vector_store_idx %scatter3A_443[%get3A_429], %add3A_439 masked %gt3A_432 : memref<64xi32, #tpu.memory_space<vmem>>[vector<16xi32>], vector<16xi32>, vector<16xi1>
      %scatter3A_444 = arith.constant 1 : i32
      %scatter3A_445 = arith.constant 0 : i32
      %scatter3A_446 = tpu.memref_slice %arg10[%scatter3A_444, %scatter3A_445] : memref<2x64xf32, #tpu.memory_space<vmem>> -> memref<1x64xf32, #tpu.memory_space<vmem>>
      %scatter3A_447 = tpu.memref_squeeze %scatter3A_446 : memref<1x64xf32, #tpu.memory_space<vmem>> -> memref<64xf32, #tpu.memory_space<vmem>>
      tpu.vector_store_idx %scatter3A_447[%get3A_429], %get3A_423 masked %gt3A_432 : memref<64xf32, #tpu.memory_space<vmem>>[vector<16xi32>], vector<16xf32>, vector<16xi1>
      %mul3A_448 = arith.constant 4 : i32
      %mul3A_449 = arith.muli %scan3A_382, %mul3A_448 : i32
      %add3A_450 = arith.constant 2 : i32
      %add3A_451 = arith.addi %mul3A_449, %add3A_450 : i32
      %mul3A_452 = arith.constant 16 : i32
      %mul3A_453 = arith.muli %add3A_451, %mul3A_452 : i32
      %get3A_454 = arith.constant 1 : i32
      %get3A_455 = arith.index_cast %get3A_454 : i32 to index
      %get3A_456 = arith.index_cast %mul3A_453 : i32 to index
      %get3A_457 = tpu.vector_load %arg7[%get3A_455, %get3A_456] {strides = array<i32>} : memref<2x2048xf32, #tpu.memory_space<vmem>>, vector<16xf32>,
      %mul3A_458 = arith.constant 16 : i32
      %mul3A_459 = arith.muli %add3A_451, %mul3A_458 : i32
      %get3A_460 = arith.constant 1 : i32
      %get3A_461 = arith.index_cast %get3A_460 : i32 to index
      %get3A_462 = arith.index_cast %mul3A_459 : i32 to index
      %get3A_463 = tpu.vector_load %arg8[%get3A_461, %get3A_462] {strides = array<i32>} : memref<2x2048xi32, #tpu.memory_space<vmem>>, vector<16xi32>,
      %gt3A_464 = arith.constant 0.000000e+00 : f32
      %gt3A_465 = vector.broadcast %gt3A_464 : f32 to vector<16xf32>
      %gt3A_466 = arith.cmpf ogt, %get3A_457, %gt3A_465 : vector<16xf32>
      %mul3A_467 = arith.constant 2048 : i32
      %mul3A_468 = arith.muli %add3A_227, %mul3A_467 : i32
      %mul3A_469 = arith.constant 16 : i32
      %mul3A_470 = arith.muli %add3A_451, %mul3A_469 : i32
      %add3A_471 = arith.addi %mul3A_468, %mul3A_470 : i32
      %add3A_472 = vector.broadcast %add3A_471 : i32 to vector<16xi32>
      %add3A_473 = arith.addi %add3A_472, %iota3A : vector<16xi32>
      %scatter3A_474 = arith.constant 1 : i32
      %scatter3A_475 = arith.constant 0 : i32
      %scatter3A_476 = tpu.memref_slice %arg9[%scatter3A_474, %scatter3A_475] : memref<2x64xi32, #tpu.memory_space<vmem>> -> memref<1x64xi32, #tpu.memory_space<vmem>>
      %scatter3A_477 = tpu.memref_squeeze %scatter3A_476 : memref<1x64xi32, #tpu.memory_space<vmem>> -> memref<64xi32, #tpu.memory_space<vmem>>
      tpu.vector_store_idx %scatter3A_477[%get3A_463], %add3A_473 masked %gt3A_466 : memref<64xi32, #tpu.memory_space<vmem>>[vector<16xi32>], vector<16xi32>, vector<16xi1>
      %scatter3A_478 = arith.constant 1 : i32
      %scatter3A_479 = arith.constant 0 : i32
      %scatter3A_480 = tpu.memref_slice %arg10[%scatter3A_478, %scatter3A_479] : memref<2x64xf32, #tpu.memory_space<vmem>> -> memref<1x64xf32, #tpu.memory_space<vmem>>
      %scatter3A_481 = tpu.memref_squeeze %scatter3A_480 : memref<1x64xf32, #tpu.memory_space<vmem>> -> memref<64xf32, #tpu.memory_space<vmem>>
      tpu.vector_store_idx %scatter3A_481[%get3A_463], %get3A_457 masked %gt3A_466 : memref<64xf32, #tpu.memory_space<vmem>>[vector<16xi32>], vector<16xf32>, vector<16xi1>
      %mul3A_482 = arith.constant 4 : i32
      %mul3A_483 = arith.muli %scan3A_382, %mul3A_482 : i32
      %add3A_484 = arith.constant 3 : i32
      %add3A_485 = arith.addi %mul3A_483, %add3A_484 : i32
      %mul3A_486 = arith.constant 16 : i32
      %mul3A_487 = arith.muli %add3A_485, %mul3A_486 : i32
      %get3A_488 = arith.constant 1 : i32
      %get3A_489 = arith.index_cast %get3A_488 : i32 to index
      %get3A_490 = arith.index_cast %mul3A_487 : i32 to index
      %get3A_491 = tpu.vector_load %arg7[%get3A_489, %get3A_490] {strides = array<i32>} : memref<2x2048xf32, #tpu.memory_space<vmem>>, vector<16xf32>,
      %mul3A_492 = arith.constant 16 : i32
      %mul3A_493 = arith.muli %add3A_485, %mul3A_492 : i32
      %get3A_494 = arith.constant 1 : i32
      %get3A_495 = arith.index_cast %get3A_494 : i32 to index
      %get3A_496 = arith.index_cast %mul3A_493 : i32 to index
      %get3A_497 = tpu.vector_load %arg8[%get3A_495, %get3A_496] {strides = array<i32>} : memref<2x2048xi32, #tpu.memory_space<vmem>>, vector<16xi32>,
      %gt3A_498 = arith.constant 0.000000e+00 : f32
      %gt3A_499 = vector.broadcast %gt3A_498 : f32 to vector<16xf32>
      %gt3A_500 = arith.cmpf ogt, %get3A_491, %gt3A_499 : vector<16xf32>
      %mul3A_501 = arith.constant 2048 : i32
      %mul3A_502 = arith.muli %add3A_227, %mul3A_501 : i32
      %mul3A_503 = arith.constant 16 : i32
      %mul3A_504 = arith.muli %add3A_485, %mul3A_503 : i32
      %add3A_505 = arith.addi %mul3A_502, %mul3A_504 : i32
      %add3A_506 = vector.broadcast %add3A_505 : i32 to vector<16xi32>
      %add3A_507 = arith.addi %add3A_506, %iota3A : vector<16xi32>
      %scatter3A_508 = arith.constant 1 : i32
      %scatter3A_509 = arith.constant 0 : i32
      %scatter3A_510 = tpu.memref_slice %arg9[%scatter3A_508, %scatter3A_509] : memref<2x64xi32, #tpu.memory_space<vmem>> -> memref<1x64xi32, #tpu.memory_space<vmem>>
      %scatter3A_511 = tpu.memref_squeeze %scatter3A_510 : memref<1x64xi32, #tpu.memory_space<vmem>> -> memref<64xi32, #tpu.memory_space<vmem>>
      tpu.vector_store_idx %scatter3A_511[%get3A_497], %add3A_507 masked %gt3A_500 : memref<64xi32, #tpu.memory_space<vmem>>[vector<16xi32>], vector<16xi32>, vector<16xi1>
      %scatter3A_512 = arith.constant 1 : i32
      %scatter3A_513 = arith.constant 0 : i32
      %scatter3A_514 = tpu.memref_slice %arg10[%scatter3A_512, %scatter3A_513] : memref<2x64xf32, #tpu.memory_space<vmem>> -> memref<1x64xf32, #tpu.memory_space<vmem>>
      %scatter3A_515 = tpu.memref_squeeze %scatter3A_514 : memref<1x64xf32, #tpu.memory_space<vmem>> -> memref<64xf32, #tpu.memory_space<vmem>>
      tpu.vector_store_idx %scatter3A_515[%get3A_497], %get3A_491 masked %gt3A_500 : memref<64xf32, #tpu.memory_space<vmem>>[vector<16xi32>], vector<16xf32>, vector<16xi1>
    }
    %scan3A_233 = arith.constant 32 : i32
    %dma_start3A_234 = arith.constant 1 : i32
    %dma_start3A_235 = arith.constant 1 : i32
    %dma_start3A_236 = arith.constant 0 : i32
    %dma_start3A_237 = arith.constant 0 : i32
    %dma_start3A_238 = tpu.memref_slice %arg11[%dma_start3A_235, %dma_start3A_236, %dma_start3A_237] : memref<2x64x128xf32, #tpu.memory_space<vmem>> -> memref<1x64x128xf32, #tpu.memory_space<vmem>>
    %dma_start3A_239 = tpu.memref_squeeze %dma_start3A_238 : memref<1x64x128xf32, #tpu.memory_space<vmem>> -> memref<64x128xf32, #tpu.memory_space<vmem>>
    %dma_start3A_240 = arith.constant 0 : i32
    %dma_start3A_241 = tpu.memref_slice %arg9[%dma_start3A_234, %dma_start3A_240] : memref<2x64xi32, #tpu.memory_space<vmem>> -> memref<1x64xi32, #tpu.memory_space<vmem>>
    %dma_start3A_242 = tpu.memref_squeeze %dma_start3A_241 : memref<1x64xi32, #tpu.memory_space<vmem>> -> memref<64xi32, #tpu.memory_space<vmem>>
    %dma_start3A_243 = arith.constant 0 : i32
    %dma_start3A_244 = arith.constant 0 : i32
    %dma_start3A_245 = tpu.memref_slice %arg4[%dma_start3A_243, %dma_start3A_244] : memref<131072x128xf32, #tpu.memory_space<hbm>> -> memref<131072x128xf32, #tpu.memory_space<hbm>>
    tpu.enqueue_indirect_dma source(%dma_start3A_245 : memref<131072x128xf32, #tpu.memory_space<hbm>>) target(%dma_start3A_239 : memref<64x128xf32, #tpu.memory_space<vmem>>) offsets(%dma_start3A_242 : memref<64xi32, #tpu.memory_space<vmem>>) semaphore(%arg13 : memref<!tpu.dma_semaphore, #tpu.memory_space<semaphore_mem>>)
    %add3A_246 = arith.constant 0 : i32
    %add3A_247 = arith.addi %mul3A_2, %add3A_246 : i32
    %dma_wait3A_248 = arith.constant 0 : i32
    %dma_wait3A_249 = arith.constant 0 : i32
    %dma_wait3A_250 = arith.constant 0 : i32
    %dma_wait3A_251 = arith.constant 0 : i32
    %dma_wait3A_252 = tpu.memref_slice %arg11[%dma_wait3A_249, %dma_wait3A_250, %dma_wait3A_251] : memref<2x64x128xf32, #tpu.memory_space<vmem>> -> memref<1x64x128xf32, #tpu.memory_space<vmem>>
    %dma_wait3A_253 = tpu.memref_squeeze %dma_wait3A_252 : memref<1x64x128xf32, #tpu.memory_space<vmem>> -> memref<64x128xf32, #tpu.memory_space<vmem>>
    %dma_wait3A_254 = arith.constant 0 : i32
    %dma_wait3A_255 = tpu.memref_slice %arg9[%dma_wait3A_248, %dma_wait3A_254] : memref<2x64xi32, #tpu.memory_space<vmem>> -> memref<1x64xi32, #tpu.memory_space<vmem>>
    %dma_wait3A_256 = tpu.memref_squeeze %dma_wait3A_255 : memref<1x64xi32, #tpu.memory_space<vmem>> -> memref<64xi32, #tpu.memory_space<vmem>>
    %dma_wait3A_257 = arith.constant 0 : i32
    %dma_wait3A_258 = arith.constant 0 : i32
    %dma_wait3A_259 = tpu.memref_slice %arg4[%dma_wait3A_257, %dma_wait3A_258] : memref<131072x128xf32, #tpu.memory_space<hbm>> -> memref<131072x128xf32, #tpu.memory_space<hbm>>
    tpu.wait_indirect_dma semaphore(%arg13 : memref<!tpu.dma_semaphore, #tpu.memory_space<semaphore_mem>>) src(%dma_wait3A_259 : memref<131072x128xf32, #tpu.memory_space<hbm>>) dst(%dma_wait3A_253 : memref<64x128xf32, #tpu.memory_space<vmem>>)
    %mul3A_260 = arith.constant 64 : i32
    %mul3A_261 = arith.muli %add3A_247, %mul3A_260 : i32
    %dma_start3A_262 = arith.constant 0 : i32
    %dma_start3A_263 = arith.constant 0 : i32
    %dma_start3A_264 = arith.constant 0 : i32
    %dma_start3A_265 = tpu.memref_slice %arg11[%dma_start3A_262, %dma_start3A_263, %dma_start3A_264] : memref<2x64x128xf32, #tpu.memory_space<vmem>> -> memref<1x64x128xf32, #tpu.memory_space<vmem>>
    %dma_start3A_266 = tpu.memref_squeeze %dma_start3A_265 : memref<1x64x128xf32, #tpu.memory_space<vmem>> -> memref<64x128xf32, #tpu.memory_space<vmem>>
    %dma_start3A_267 = arith.constant 0 : i32
    %dma_start3A_268 = tpu.memref_slice %arg5[%mul3A_261, %dma_start3A_267] : memref<4096x128xf32, #tpu.memory_space<hbm>> -> memref<64x128xf32, #tpu.memory_space<hbm>>
    %dma_start3A_269 = arith.constant 0 : i32
    %dma_start3A_270 = tpu.memref_slice %arg5[%mul3A_261, %dma_start3A_269] : memref<4096x128xf32, #tpu.memory_space<hbm>> -> memref<64x128xf32, #tpu.memory_space<hbm>>
    %dma_start3A_271 = arith.constant 0 : i32
    %dma_start3A_272 = arith.constant 0 : i32
    %dma_start3A_273 = tpu.memref_slice %arg11[%dma_start3A_262, %dma_start3A_271, %dma_start3A_272] : memref<2x64x128xf32, #tpu.memory_space<vmem>> -> memref<1x64x128xf32, #tpu.memory_space<vmem>>
    %dma_start3A_274 = tpu.memref_squeeze %dma_start3A_273 : memref<1x64x128xf32, #tpu.memory_space<vmem>> -> memref<64x128xf32, #tpu.memory_space<vmem>>
    tpu.enqueue_dma source(%dma_start3A_274 : memref<64x128xf32, #tpu.memory_space<vmem>>) target(%dma_start3A_270 : memref<64x128xf32, #tpu.memory_space<hbm>>) target_semaphore(%arg14 : memref<!tpu.dma_semaphore, #tpu.memory_space<semaphore_mem>>)
    %dma_start3A_275 = arith.constant 0 : i32
    %dma_start3A_276 = arith.constant 0 : i32
    %dma_start3A_277 = tpu.memref_slice %arg10[%dma_start3A_275, %dma_start3A_276] : memref<2x64xf32, #tpu.memory_space<vmem>> -> memref<1x64xf32, #tpu.memory_space<vmem>>
    %dma_start3A_278 = tpu.memref_squeeze %dma_start3A_277 : memref<1x64xf32, #tpu.memory_space<vmem>> -> memref<64xf32, #tpu.memory_space<vmem>>
    %dma_start3A_279 = arith.constant 0 : i32
    %dma_start3A_280 = tpu.memref_slice %arg6[%add3A_247, %dma_start3A_279] : memref<64x64xf32, #tpu.memory_space<hbm>> -> memref<1x64xf32, #tpu.memory_space<hbm>>
    %dma_start3A_281 = tpu.memref_squeeze %dma_start3A_280 : memref<1x64xf32, #tpu.memory_space<hbm>> -> memref<64xf32, #tpu.memory_space<hbm>>
    %dma_start3A_282 = arith.constant 0 : i32
    %dma_start3A_283 = tpu.memref_slice %arg6[%add3A_247, %dma_start3A_282] : memref<64x64xf32, #tpu.memory_space<hbm>> -> memref<1x64xf32, #tpu.memory_space<hbm>>
    %dma_start3A_284 = tpu.memref_squeeze %dma_start3A_283 : memref<1x64xf32, #tpu.memory_space<hbm>> -> memref<64xf32, #tpu.memory_space<hbm>>
    %dma_start3A_285 = arith.constant 0 : i32
    %dma_start3A_286 = tpu.memref_slice %arg10[%dma_start3A_275, %dma_start3A_285] : memref<2x64xf32, #tpu.memory_space<vmem>> -> memref<1x64xf32, #tpu.memory_space<vmem>>
    %dma_start3A_287 = tpu.memref_squeeze %dma_start3A_286 : memref<1x64xf32, #tpu.memory_space<vmem>> -> memref<64xf32, #tpu.memory_space<vmem>>
    tpu.enqueue_dma source(%dma_start3A_287 : memref<64xf32, #tpu.memory_space<vmem>>) target(%dma_start3A_284 : memref<64xf32, #tpu.memory_space<hbm>>) target_semaphore(%arg14 : memref<!tpu.dma_semaphore, #tpu.memory_space<semaphore_mem>>)
    %add3A_288 = arith.constant 1 : i32
    %add3A_289 = arith.addi %mul3A_2, %add3A_288 : i32
    %dma_wait3A_290 = arith.constant 1 : i32
    %dma_wait3A_291 = arith.constant 1 : i32
    %dma_wait3A_292 = arith.constant 0 : i32
    %dma_wait3A_293 = arith.constant 0 : i32
    %dma_wait3A_294 = tpu.memref_slice %arg11[%dma_wait3A_291, %dma_wait3A_292, %dma_wait3A_293] : memref<2x64x128xf32, #tpu.memory_space<vmem>> -> memref<1x64x128xf32, #tpu.memory_space<vmem>>
    %dma_wait3A_295 = tpu.memref_squeeze %dma_wait3A_294 : memref<1x64x128xf32, #tpu.memory_space<vmem>> -> memref<64x128xf32, #tpu.memory_space<vmem>>
    %dma_wait3A_296 = arith.constant 0 : i32
    %dma_wait3A_297 = tpu.memref_slice %arg9[%dma_wait3A_290, %dma_wait3A_296] : memref<2x64xi32, #tpu.memory_space<vmem>> -> memref<1x64xi32, #tpu.memory_space<vmem>>
    %dma_wait3A_298 = tpu.memref_squeeze %dma_wait3A_297 : memref<1x64xi32, #tpu.memory_space<vmem>> -> memref<64xi32, #tpu.memory_space<vmem>>
    %dma_wait3A_299 = arith.constant 0 : i32
    %dma_wait3A_300 = arith.constant 0 : i32
    %dma_wait3A_301 = tpu.memref_slice %arg4[%dma_wait3A_299, %dma_wait3A_300] : memref<131072x128xf32, #tpu.memory_space<hbm>> -> memref<131072x128xf32, #tpu.memory_space<hbm>>
    tpu.wait_indirect_dma semaphore(%arg13 : memref<!tpu.dma_semaphore, #tpu.memory_space<semaphore_mem>>) src(%dma_wait3A_301 : memref<131072x128xf32, #tpu.memory_space<hbm>>) dst(%dma_wait3A_295 : memref<64x128xf32, #tpu.memory_space<vmem>>)
    %mul3A_302 = arith.constant 64 : i32
    %mul3A_303 = arith.muli %add3A_289, %mul3A_302 : i32
    %dma_start3A_304 = arith.constant 1 : i32
    %dma_start3A_305 = arith.constant 0 : i32
    %dma_start3A_306 = arith.constant 0 : i32
    %dma_start3A_307 = tpu.memref_slice %arg11[%dma_start3A_304, %dma_start3A_305, %dma_start3A_306] : memref<2x64x128xf32, #tpu.memory_space<vmem>> -> memref<1x64x128xf32, #tpu.memory_space<vmem>>
    %dma_start3A_308 = tpu.memref_squeeze %dma_start3A_307 : memref<1x64x128xf32, #tpu.memory_space<vmem>> -> memref<64x128xf32, #tpu.memory_space<vmem>>
    %dma_start3A_309 = arith.constant 0 : i32
    %dma_start3A_310 = tpu.memref_slice %arg5[%mul3A_303, %dma_start3A_309] : memref<4096x128xf32, #tpu.memory_space<hbm>> -> memref<64x128xf32, #tpu.memory_space<hbm>>
    %dma_start3A_311 = arith.constant 0 : i32
    %dma_start3A_312 = tpu.memref_slice %arg5[%mul3A_303, %dma_start3A_311] : memref<4096x128xf32, #tpu.memory_space<hbm>> -> memref<64x128xf32, #tpu.memory_space<hbm>>
    %dma_start3A_313 = arith.constant 0 : i32
    %dma_start3A_314 = arith.constant 0 : i32
    %dma_start3A_315 = tpu.memref_slice %arg11[%dma_start3A_304, %dma_start3A_313, %dma_start3A_314] : memref<2x64x128xf32, #tpu.memory_space<vmem>> -> memref<1x64x128xf32, #tpu.memory_space<vmem>>
    %dma_start3A_316 = tpu.memref_squeeze %dma_start3A_315 : memref<1x64x128xf32, #tpu.memory_space<vmem>> -> memref<64x128xf32, #tpu.memory_space<vmem>>
    tpu.enqueue_dma source(%dma_start3A_316 : memref<64x128xf32, #tpu.memory_space<vmem>>) target(%dma_start3A_312 : memref<64x128xf32, #tpu.memory_space<hbm>>) target_semaphore(%arg14 : memref<!tpu.dma_semaphore, #tpu.memory_space<semaphore_mem>>)
    %dma_start3A_317 = arith.constant 1 : i32
    %dma_start3A_318 = arith.constant 0 : i32
    %dma_start3A_319 = tpu.memref_slice %arg10[%dma_start3A_317, %dma_start3A_318] : memref<2x64xf32, #tpu.memory_space<vmem>> -> memref<1x64xf32, #tpu.memory_space<vmem>>
    %dma_start3A_320 = tpu.memref_squeeze %dma_start3A_319 : memref<1x64xf32, #tpu.memory_space<vmem>> -> memref<64xf32, #tpu.memory_space<vmem>>
    %dma_start3A_321 = arith.constant 0 : i32
    %dma_start3A_322 = tpu.memref_slice %arg6[%add3A_289, %dma_start3A_321] : memref<64x64xf32, #tpu.memory_space<hbm>> -> memref<1x64xf32, #tpu.memory_space<hbm>>
    %dma_start3A_323 = tpu.memref_squeeze %dma_start3A_322 : memref<1x64xf32, #tpu.memory_space<hbm>> -> memref<64xf32, #tpu.memory_space<hbm>>
    %dma_start3A_324 = arith.constant 0 : i32
    %dma_start3A_325 = tpu.memref_slice %arg6[%add3A_289, %dma_start3A_324] : memref<64x64xf32, #tpu.memory_space<hbm>> -> memref<1x64xf32, #tpu.memory_space<hbm>>
    %dma_start3A_326 = tpu.memref_squeeze %dma_start3A_325 : memref<1x64xf32, #tpu.memory_space<hbm>> -> memref<64xf32, #tpu.memory_space<hbm>>
    %dma_start3A_327 = arith.constant 0 : i32
    %dma_start3A_328 = tpu.memref_slice %arg10[%dma_start3A_317, %dma_start3A_327] : memref<2x64xf32, #tpu.memory_space<vmem>> -> memref<1x64xf32, #tpu.memory_space<vmem>>
    %dma_start3A_329 = tpu.memref_squeeze %dma_start3A_328 : memref<1x64xf32, #tpu.memory_space<vmem>> -> memref<64xf32, #tpu.memory_space<vmem>>
    tpu.enqueue_dma source(%dma_start3A_329 : memref<64xf32, #tpu.memory_space<vmem>>) target(%dma_start3A_326 : memref<64xf32, #tpu.memory_space<hbm>>) target_semaphore(%arg14 : memref<!tpu.dma_semaphore, #tpu.memory_space<semaphore_mem>>)
    %dma_wait3A_330 = arith.constant 0 : i32
    %dma_wait3A_331 = arith.constant 0 : i32
    %dma_wait3A_332 = arith.constant 0 : i32
    %dma_wait3A_333 = tpu.memref_slice %arg11[%dma_wait3A_330, %dma_wait3A_331, %dma_wait3A_332] : memref<2x64x128xf32, #tpu.memory_space<vmem>> -> memref<1x64x128xf32, #tpu.memory_space<vmem>>
    %dma_wait3A_334 = tpu.memref_squeeze %dma_wait3A_333 : memref<1x64x128xf32, #tpu.memory_space<vmem>> -> memref<64x128xf32, #tpu.memory_space<vmem>>
    %dma_wait3A_335 = arith.constant 0 : i32
    %dma_wait3A_336 = tpu.memref_slice %arg5[%mul3A_261, %dma_wait3A_335] : memref<4096x128xf32, #tpu.memory_space<hbm>> -> memref<64x128xf32, #tpu.memory_space<hbm>>
    %dma_wait3A_337 = arith.constant 0 : i32
    %dma_wait3A_338 = tpu.memref_slice %arg5[%mul3A_261, %dma_wait3A_337] : memref<4096x128xf32, #tpu.memory_space<hbm>> -> memref<64x128xf32, #tpu.memory_space<hbm>>
    %dma_wait3A_339 = arith.constant 0 : i32
    %dma_wait3A_340 = arith.constant 0 : i32
    %dma_wait3A_341 = tpu.memref_slice %arg11[%dma_wait3A_330, %dma_wait3A_339, %dma_wait3A_340] : memref<2x64x128xf32, #tpu.memory_space<vmem>> -> memref<1x64x128xf32, #tpu.memory_space<vmem>>
    %dma_wait3A_342 = tpu.memref_squeeze %dma_wait3A_341 : memref<1x64x128xf32, #tpu.memory_space<vmem>> -> memref<64x128xf32, #tpu.memory_space<vmem>>
    tpu.wait_dma2 semaphore(%arg14 : memref<!tpu.dma_semaphore, #tpu.memory_space<semaphore_mem>>) src(%dma_wait3A_342 : memref<64x128xf32, #tpu.memory_space<vmem>>) dst(%dma_wait3A_338 : memref<64x128xf32, #tpu.memory_space<hbm>>)
    %dma_wait3A_343 = arith.constant 0 : i32
    %dma_wait3A_344 = arith.constant 0 : i32
    %dma_wait3A_345 = tpu.memref_slice %arg10[%dma_wait3A_343, %dma_wait3A_344] : memref<2x64xf32, #tpu.memory_space<vmem>> -> memref<1x64xf32, #tpu.memory_space<vmem>>
    %dma_wait3A_346 = tpu.memref_squeeze %dma_wait3A_345 : memref<1x64xf32, #tpu.memory_space<vmem>> -> memref<64xf32, #tpu.memory_space<vmem>>
    %dma_wait3A_347 = arith.constant 0 : i32
    %dma_wait3A_348 = tpu.memref_slice %arg6[%add3A_247, %dma_wait3A_347] : memref<64x64xf32, #tpu.memory_space<hbm>> -> memref<1x64xf32, #tpu.memory_space<hbm>>
    %dma_wait3A_349 = tpu.memref_squeeze %dma_wait3A_348 : memref<1x64xf32, #tpu.memory_space<hbm>> -> memref<64xf32, #tpu.memory_space<hbm>>
    %dma_wait3A_350 = arith.constant 0 : i32
    %dma_wait3A_351 = tpu.memref_slice %arg6[%add3A_247, %dma_wait3A_350] : memref<64x64xf32, #tpu.memory_space<hbm>> -> memref<1x64xf32, #tpu.memory_space<hbm>>
    %dma_wait3A_352 = tpu.memref_squeeze %dma_wait3A_351 : memref<1x64xf32, #tpu.memory_space<hbm>> -> memref<64xf32, #tpu.memory_space<hbm>>
    %dma_wait3A_353 = arith.constant 0 : i32
    %dma_wait3A_354 = tpu.memref_slice %arg10[%dma_wait3A_343, %dma_wait3A_353] : memref<2x64xf32, #tpu.memory_space<vmem>> -> memref<1x64xf32, #tpu.memory_space<vmem>>
    %dma_wait3A_355 = tpu.memref_squeeze %dma_wait3A_354 : memref<1x64xf32, #tpu.memory_space<vmem>> -> memref<64xf32, #tpu.memory_space<vmem>>
    tpu.wait_dma2 semaphore(%arg14 : memref<!tpu.dma_semaphore, #tpu.memory_space<semaphore_mem>>) src(%dma_wait3A_355 : memref<64xf32, #tpu.memory_space<vmem>>) dst(%dma_wait3A_352 : memref<64xf32, #tpu.memory_space<hbm>>)
    %dma_wait3A_356 = arith.constant 1 : i32
    %dma_wait3A_357 = arith.constant 0 : i32
    %dma_wait3A_358 = arith.constant 0 : i32
    %dma_wait3A_359 = tpu.memref_slice %arg11[%dma_wait3A_356, %dma_wait3A_357, %dma_wait3A_358] : memref<2x64x128xf32, #tpu.memory_space<vmem>> -> memref<1x64x128xf32, #tpu.memory_space<vmem>>
    %dma_wait3A_360 = tpu.memref_squeeze %dma_wait3A_359 : memref<1x64x128xf32, #tpu.memory_space<vmem>> -> memref<64x128xf32, #tpu.memory_space<vmem>>
    %dma_wait3A_361 = arith.constant 0 : i32
    %dma_wait3A_362 = tpu.memref_slice %arg5[%mul3A_303, %dma_wait3A_361] : memref<4096x128xf32, #tpu.memory_space<hbm>> -> memref<64x128xf32, #tpu.memory_space<hbm>>
    %dma_wait3A_363 = arith.constant 0 : i32
    %dma_wait3A_364 = tpu.memref_slice %arg5[%mul3A_303, %dma_wait3A_363] : memref<4096x128xf32, #tpu.memory_space<hbm>> -> memref<64x128xf32, #tpu.memory_space<hbm>>
    %dma_wait3A_365 = arith.constant 0 : i32
    %dma_wait3A_366 = arith.constant 0 : i32
    %dma_wait3A_367 = tpu.memref_slice %arg11[%dma_wait3A_356, %dma_wait3A_365, %dma_wait3A_366] : memref<2x64x128xf32, #tpu.memory_space<vmem>> -> memref<1x64x128xf32, #tpu.memory_space<vmem>>
    %dma_wait3A_368 = tpu.memref_squeeze %dma_wait3A_367 : memref<1x64x128xf32, #tpu.memory_space<vmem>> -> memref<64x128xf32, #tpu.memory_space<vmem>>
    tpu.wait_dma2 semaphore(%arg14 : memref<!tpu.dma_semaphore, #tpu.memory_space<semaphore_mem>>) src(%dma_wait3A_368 : memref<64x128xf32, #tpu.memory_space<vmem>>) dst(%dma_wait3A_364 : memref<64x128xf32, #tpu.memory_space<hbm>>)
    %dma_wait3A_369 = arith.constant 1 : i32
    %dma_wait3A_370 = arith.constant 0 : i32
    %dma_wait3A_371 = tpu.memref_slice %arg10[%dma_wait3A_369, %dma_wait3A_370] : memref<2x64xf32, #tpu.memory_space<vmem>> -> memref<1x64xf32, #tpu.memory_space<vmem>>
    %dma_wait3A_372 = tpu.memref_squeeze %dma_wait3A_371 : memref<1x64xf32, #tpu.memory_space<vmem>> -> memref<64xf32, #tpu.memory_space<vmem>>
    %dma_wait3A_373 = arith.constant 0 : i32
    %dma_wait3A_374 = tpu.memref_slice %arg6[%add3A_289, %dma_wait3A_373] : memref<64x64xf32, #tpu.memory_space<hbm>> -> memref<1x64xf32, #tpu.memory_space<hbm>>
    %dma_wait3A_375 = tpu.memref_squeeze %dma_wait3A_374 : memref<1x64xf32, #tpu.memory_space<hbm>> -> memref<64xf32, #tpu.memory_space<hbm>>
    %dma_wait3A_376 = arith.constant 0 : i32
    %dma_wait3A_377 = tpu.memref_slice %arg6[%add3A_289, %dma_wait3A_376] : memref<64x64xf32, #tpu.memory_space<hbm>> -> memref<1x64xf32, #tpu.memory_space<hbm>>
    %dma_wait3A_378 = tpu.memref_squeeze %dma_wait3A_377 : memref<1x64xf32, #tpu.memory_space<hbm>> -> memref<64xf32, #tpu.memory_space<hbm>>
    %dma_wait3A_379 = arith.constant 0 : i32
    %dma_wait3A_380 = tpu.memref_slice %arg10[%dma_wait3A_369, %dma_wait3A_379] : memref<2x64xf32, #tpu.memory_space<vmem>> -> memref<1x64xf32, #tpu.memory_space<vmem>>
    %dma_wait3A_381 = tpu.memref_squeeze %dma_wait3A_380 : memref<1x64xf32, #tpu.memory_space<vmem>> -> memref<64xf32, #tpu.memory_space<vmem>>
    tpu.wait_dma2 semaphore(%arg14 : memref<!tpu.dma_semaphore, #tpu.memory_space<semaphore_mem>>) src(%dma_wait3A_381 : memref<64xf32, #tpu.memory_space<vmem>>) dst(%dma_wait3A_378 : memref<64xf32, #tpu.memory_space<hbm>>)
    return
  }
}

module attributes {stable_mosaic.version = 14 : i64} {
  func.func @_readout_body(%arg0: memref<64x64xf32, #tpu.memory_space<vmem>>, %arg1: memref<4096x128xf32, #tpu.memory_space<vmem>>, %arg2: memref<1024x128xf32, #tpu.memory_space<vmem>>, %arg3: memref<1x1024xf32, #tpu.memory_space<vmem>>, %arg4: memref<128x128xf32, #tpu.memory_space<vmem>>, %arg5: memref<1x128xf32, #tpu.memory_space<vmem>>, %arg6: memref<64x1024xf32, #tpu.memory_space<vmem>>, %arg7: memref<64x128xf32, #tpu.memory_space<vmem>>) attributes {dimension_semantics = [], scalar_prefetch = 0 : i64, scratch_operands = 0 : i64, tpu.core_type = #tpu.core_type<tc>} {
    %get3A = arith.constant 0 : index
    %get3A_0 = arith.constant 0 : index
    %get3A_1 = vector.load %arg1[%get3A, %get3A_0] : memref<4096x128xf32, #tpu.memory_space<vmem>>, vector<4096x128xf32>
    %reshape3A = vector.shape_cast %get3A_1 : vector<4096x128xf32> to vector<64x64x128xf32>
    %get3A_2 = arith.constant 0 : index
    %get3A_3 = arith.constant 0 : index
    %get3A_4 = vector.load %arg0[%get3A_2, %get3A_3] : memref<64x64xf32, #tpu.memory_space<vmem>>, vector<64x64xf32>
    %broadcast_in_dim3A = vector.shape_cast %get3A_4 : vector<64x64xf32> to vector<64x64x1xf32>
    %mul3A = vector.broadcast %broadcast_in_dim3A : vector<64x64x1xf32> to vector<64x64x128xf32>
    %mul3A_5 = arith.mulf %reshape3A, %mul3A : vector<64x64x128xf32>
    %reduce_sum3A = arith.constant dense<0.000000e+00> : vector<64x128xf32>
    %reduce_sum3A_6 = vector.multi_reduction <add>, %mul3A_5, %reduce_sum3A [1] : vector<64x64x128xf32> to vector<64x128xf32>
    %get3A_7 = arith.constant 0 : index
    %get3A_8 = arith.constant 0 : index
    %get3A_9 = vector.load %arg2[%get3A_7, %get3A_8] : memref<1024x128xf32, #tpu.memory_space<vmem>>, vector<1024x128xf32>
    %dot_general3A = arith.constant dense<0.000000e+00> : vector<64x1024xf32>
    %dot_general3A_10 = tpu.matmul %reduce_sum3A_6, %get3A_9, %dot_general3A {dimension_numbers = #tpu.dot_dimension_numbers<[1], [1], [0], [0], [0, 0, 1, 0], [], []>, transpose_lhs_hint = false} : vector<64x128xf32>, vector<1024x128xf32>, vector<64x1024xf32> -> vector<64x1024xf32>
    %get3A_11 = arith.constant 0 : index
    %get3A_12 = arith.constant 0 : index
    %get3A_13 = vector.load %arg3[%get3A_11, %get3A_12] : memref<1x1024xf32, #tpu.memory_space<vmem>>, vector<1x1024xf32>
    %add3A = vector.broadcast %get3A_13 : vector<1x1024xf32> to vector<64x1024xf32>
    %add3A_14 = arith.addf %dot_general3A_10, %add3A : vector<64x1024xf32>
    %swap3A = arith.constant 0 : index
    %swap3A_15 = arith.constant 0 : index
    %swap3A_16 = vector.load %arg6[%swap3A, %swap3A_15] : memref<64x1024xf32, #tpu.memory_space<vmem>>, vector<64x1024xf32>
    tpu.vector_store %arg6[%swap3A, %swap3A_15], %add3A_14 {strides = array<i32>} : memref<64x1024xf32, #tpu.memory_space<vmem>>, vector<64x1024xf32>,
    %get3A_17 = arith.constant 0 : index
    %get3A_18 = arith.constant 0 : index
    %get3A_19 = vector.load %arg4[%get3A_17, %get3A_18] : memref<128x128xf32, #tpu.memory_space<vmem>>, vector<128x128xf32>
    %dot_general3A_20 = arith.constant dense<0.000000e+00> : vector<64x128xf32>
    %dot_general3A_21 = tpu.matmul %reduce_sum3A_6, %get3A_19, %dot_general3A_20 {dimension_numbers = #tpu.dot_dimension_numbers<[1], [1], [0], [0], [0, 0, 1, 0], [], []>, transpose_lhs_hint = false} : vector<64x128xf32>, vector<128x128xf32>, vector<64x128xf32> -> vector<64x128xf32>
    %get3A_22 = arith.constant 0 : index
    %get3A_23 = arith.constant 0 : index
    %get3A_24 = vector.load %arg5[%get3A_22, %get3A_23] : memref<1x128xf32, #tpu.memory_space<vmem>>, vector<1x128xf32>
    %add3A_25 = vector.broadcast %get3A_24 : vector<1x128xf32> to vector<64x128xf32>
    %add3A_26 = arith.addf %dot_general3A_21, %add3A_25 : vector<64x128xf32>
    %swap3A_27 = arith.constant 0 : index
    %swap3A_28 = arith.constant 0 : index
    %swap3A_29 = vector.load %arg7[%swap3A_27, %swap3A_28] : memref<64x128xf32, #tpu.memory_space<vmem>>, vector<64x128xf32>
    tpu.vector_store %arg7[%swap3A_27, %swap3A_28], %add3A_26 {strides = array<i32>} : memref<64x128xf32, #tpu.memory_space<vmem>>, vector<64x128xf32>,
    return
  }
}

module attributes {stable_mosaic.version = 14 : i64} {
  func.func @_logits_select_body(%arg0: i32, %arg1: memref<8x128xf32, #tpu.memory_space<vmem>>, %arg2: memref<8x2048x128xf32, #tpu.memory_space<vmem>>, %arg3: memref<8x2048xf32, #tpu.memory_space<vmem>>, %arg4: memref<8x2048xi32, #tpu.memory_space<vmem>>) attributes {dimension_semantics = [#tpu.dimension_semantics<arbitrary>], iteration_bounds = array<i64: 8>, scalar_prefetch = 0 : i64, scratch_operands = 0 : i64, tpu.core_type = #tpu.core_type<tc>, window_params = [{transform_indices = @transform_0, window_bounds = array<i64: 8, 128>}, {transform_indices = @transform_1, window_bounds = array<i64: 8, 2048, 128>}, {transform_indices = @transform_2, window_bounds = array<i64: 8, 2048>}, {transform_indices = @transform_3, window_bounds = array<i64: 8, 2048>}]} {
    %get3A = arith.constant 0 : index
    %get3A_0 = arith.constant 0 : index
    %get3A_1 = vector.load %arg1[%get3A, %get3A_0] : memref<8x128xf32, #tpu.memory_space<vmem>>, vector<1x128xf32>
    %get3A_2 = arith.constant 0 : index
    %get3A_3 = arith.constant 0 : index
    %get3A_4 = arith.constant 0 : index
    %get3A_5 = vector.load %arg2[%get3A_2, %get3A_3, %get3A_4] : memref<8x2048x128xf32, #tpu.memory_space<vmem>>, vector<1x2048x128xf32>
    %get3A_6 = vector.shape_cast %get3A_5 : vector<1x2048x128xf32> to vector<2048x128xf32>
    %dot_general3A = arith.constant dense<0.000000e+00> : vector<1x2048xf32>
    %dot_general3A_7 = tpu.matmul %get3A_1, %get3A_6, %dot_general3A {dimension_numbers = #tpu.dot_dimension_numbers<[1], [1], [0], [0], [0, 0, 1, 0], [], []>, transpose_lhs_hint = false} : vector<1x128xf32>, vector<2048x128xf32>, vector<1x2048xf32> -> vector<1x2048xf32>
    %get3A_8 = arith.constant 1 : index
    %get3A_9 = arith.constant 0 : index
    %get3A_10 = vector.load %arg1[%get3A_8, %get3A_9] : memref<8x128xf32, #tpu.memory_space<vmem>>, vector<1x128xf32>
    %get3A_11 = arith.constant 1 : index
    %get3A_12 = arith.constant 0 : index
    %get3A_13 = arith.constant 0 : index
    %get3A_14 = vector.load %arg2[%get3A_11, %get3A_12, %get3A_13] : memref<8x2048x128xf32, #tpu.memory_space<vmem>>, vector<1x2048x128xf32>
    %get3A_15 = vector.shape_cast %get3A_14 : vector<1x2048x128xf32> to vector<2048x128xf32>
    %dot_general3A_16 = arith.constant dense<0.000000e+00> : vector<1x2048xf32>
    %dot_general3A_17 = tpu.matmul %get3A_10, %get3A_15, %dot_general3A_16 {dimension_numbers = #tpu.dot_dimension_numbers<[1], [1], [0], [0], [0, 0, 1, 0], [], []>, transpose_lhs_hint = false} : vector<1x128xf32>, vector<2048x128xf32>, vector<1x2048xf32> -> vector<1x2048xf32>
    %get3A_18 = arith.constant 2 : index
    %get3A_19 = arith.constant 0 : index
    %get3A_20 = vector.load %arg1[%get3A_18, %get3A_19] : memref<8x128xf32, #tpu.memory_space<vmem>>, vector<1x128xf32>
    %get3A_21 = arith.constant 2 : index
    %get3A_22 = arith.constant 0 : index
    %get3A_23 = arith.constant 0 : index
    %get3A_24 = vector.load %arg2[%get3A_21, %get3A_22, %get3A_23] : memref<8x2048x128xf32, #tpu.memory_space<vmem>>, vector<1x2048x128xf32>
    %get3A_25 = vector.shape_cast %get3A_24 : vector<1x2048x128xf32> to vector<2048x128xf32>
    %dot_general3A_26 = arith.constant dense<0.000000e+00> : vector<1x2048xf32>
    %dot_general3A_27 = tpu.matmul %get3A_20, %get3A_25, %dot_general3A_26 {dimension_numbers = #tpu.dot_dimension_numbers<[1], [1], [0], [0], [0, 0, 1, 0], [], []>, transpose_lhs_hint = false} : vector<1x128xf32>, vector<2048x128xf32>, vector<1x2048xf32> -> vector<1x2048xf32>
    %get3A_28 = arith.constant 3 : index
    %get3A_29 = arith.constant 0 : index
    %get3A_30 = vector.load %arg1[%get3A_28, %get3A_29] : memref<8x128xf32, #tpu.memory_space<vmem>>, vector<1x128xf32>
    %get3A_31 = arith.constant 3 : index
    %get3A_32 = arith.constant 0 : index
    %get3A_33 = arith.constant 0 : index
    %get3A_34 = vector.load %arg2[%get3A_31, %get3A_32, %get3A_33] : memref<8x2048x128xf32, #tpu.memory_space<vmem>>, vector<1x2048x128xf32>
    %get3A_35 = vector.shape_cast %get3A_34 : vector<1x2048x128xf32> to vector<2048x128xf32>
    %dot_general3A_36 = arith.constant dense<0.000000e+00> : vector<1x2048xf32>
    %dot_general3A_37 = tpu.matmul %get3A_30, %get3A_35, %dot_general3A_36 {dimension_numbers = #tpu.dot_dimension_numbers<[1], [1], [0], [0], [0, 0, 1, 0], [], []>, transpose_lhs_hint = false} : vector<1x128xf32>, vector<2048x128xf32>, vector<1x2048xf32> -> vector<1x2048xf32>
    %get3A_38 = arith.constant 4 : index
    %get3A_39 = arith.constant 0 : index
    %get3A_40 = vector.load %arg1[%get3A_38, %get3A_39] : memref<8x128xf32, #tpu.memory_space<vmem>>, vector<1x128xf32>
    %get3A_41 = arith.constant 4 : index
    %get3A_42 = arith.constant 0 : index
    %get3A_43 = arith.constant 0 : index
    %get3A_44 = vector.load %arg2[%get3A_41, %get3A_42, %get3A_43] : memref<8x2048x128xf32, #tpu.memory_space<vmem>>, vector<1x2048x128xf32>
    %get3A_45 = vector.shape_cast %get3A_44 : vector<1x2048x128xf32> to vector<2048x128xf32>
    %dot_general3A_46 = arith.constant dense<0.000000e+00> : vector<1x2048xf32>
    %dot_general3A_47 = tpu.matmul %get3A_40, %get3A_45, %dot_general3A_46 {dimension_numbers = #tpu.dot_dimension_numbers<[1], [1], [0], [0], [0, 0, 1, 0], [], []>, transpose_lhs_hint = false} : vector<1x128xf32>, vector<2048x128xf32>, vector<1x2048xf32> -> vector<1x2048xf32>
    %get3A_48 = arith.constant 5 : index
    %get3A_49 = arith.constant 0 : index
    %get3A_50 = vector.load %arg1[%get3A_48, %get3A_49] : memref<8x128xf32, #tpu.memory_space<vmem>>, vector<1x128xf32>
    %get3A_51 = arith.constant 5 : index
    %get3A_52 = arith.constant 0 : index
    %get3A_53 = arith.constant 0 : index
    %get3A_54 = vector.load %arg2[%get3A_51, %get3A_52, %get3A_53] : memref<8x2048x128xf32, #tpu.memory_space<vmem>>, vector<1x2048x128xf32>
    %get3A_55 = vector.shape_cast %get3A_54 : vector<1x2048x128xf32> to vector<2048x128xf32>
    %dot_general3A_56 = arith.constant dense<0.000000e+00> : vector<1x2048xf32>
    %dot_general3A_57 = tpu.matmul %get3A_50, %get3A_55, %dot_general3A_56 {dimension_numbers = #tpu.dot_dimension_numbers<[1], [1], [0], [0], [0, 0, 1, 0], [], []>, transpose_lhs_hint = false} : vector<1x128xf32>, vector<2048x128xf32>, vector<1x2048xf32> -> vector<1x2048xf32>
    %get3A_58 = arith.constant 6 : index
    %get3A_59 = arith.constant 0 : index
    %get3A_60 = vector.load %arg1[%get3A_58, %get3A_59] : memref<8x128xf32, #tpu.memory_space<vmem>>, vector<1x128xf32>
    %get3A_61 = arith.constant 6 : index
    %get3A_62 = arith.constant 0 : index
    %get3A_63 = arith.constant 0 : index
    %get3A_64 = vector.load %arg2[%get3A_61, %get3A_62, %get3A_63] : memref<8x2048x128xf32, #tpu.memory_space<vmem>>, vector<1x2048x128xf32>
    %get3A_65 = vector.shape_cast %get3A_64 : vector<1x2048x128xf32> to vector<2048x128xf32>
    %dot_general3A_66 = arith.constant dense<0.000000e+00> : vector<1x2048xf32>
    %dot_general3A_67 = tpu.matmul %get3A_60, %get3A_65, %dot_general3A_66 {dimension_numbers = #tpu.dot_dimension_numbers<[1], [1], [0], [0], [0, 0, 1, 0], [], []>, transpose_lhs_hint = false} : vector<1x128xf32>, vector<2048x128xf32>, vector<1x2048xf32> -> vector<1x2048xf32>
    %get3A_68 = arith.constant 7 : index
    %get3A_69 = arith.constant 0 : index
    %get3A_70 = vector.load %arg1[%get3A_68, %get3A_69] : memref<8x128xf32, #tpu.memory_space<vmem>>, vector<1x128xf32>
    %get3A_71 = arith.constant 7 : index
    %get3A_72 = arith.constant 0 : index
    %get3A_73 = arith.constant 0 : index
    %get3A_74 = vector.load %arg2[%get3A_71, %get3A_72, %get3A_73] : memref<8x2048x128xf32, #tpu.memory_space<vmem>>, vector<1x2048x128xf32>
    %get3A_75 = vector.shape_cast %get3A_74 : vector<1x2048x128xf32> to vector<2048x128xf32>
    %dot_general3A_76 = arith.constant dense<0.000000e+00> : vector<1x2048xf32>
    %dot_general3A_77 = tpu.matmul %get3A_70, %get3A_75, %dot_general3A_76 {dimension_numbers = #tpu.dot_dimension_numbers<[1], [1], [0], [0], [0, 0, 1, 0], [], []>, transpose_lhs_hint = false} : vector<1x128xf32>, vector<2048x128xf32>, vector<1x2048xf32> -> vector<1x2048xf32>
    %concatenate3A = tpu.concatenate %dot_general3A_7, %dot_general3A_17, %dot_general3A_27, %dot_general3A_37, %dot_general3A_47, %dot_general3A_57, %dot_general3A_67, %dot_general3A_77 in 0 : vector<1x2048xf32>, vector<1x2048xf32>, vector<1x2048xf32>, vector<1x2048xf32>, vector<1x2048xf32>, vector<1x2048xf32>, vector<1x2048xf32>, vector<1x2048xf32> -> vector<8x2048xf32>
    %mul3A = arith.constant 0.0883883461 : f32
    %mul3A_78 = vector.broadcast %mul3A : f32 to vector<8x2048xf32>
    %mul3A_79 = arith.mulf %concatenate3A, %mul3A_78 : vector<8x2048xf32>
    %bitcast_convert_type3A = tpu.bitcast %mul3A_79 : vector<8x2048xf32> -> vector<8x2048xi32>
    %lt3A = arith.constant 0 : i32
    %lt3A_80 = vector.broadcast %lt3A : i32 to vector<8x2048xi32>
    %lt3A_81 = arith.cmpi slt, %bitcast_convert_type3A, %lt3A_80 : vector<8x2048xi32>
    %jit3A = arith.constant 2147483647 : i32
    %jit3A_82 = arith.constant 0 : i32
    %broadcast_in_dim3A = vector.broadcast %jit3A : i32 to vector<8x2048xi32>
    %broadcast_in_dim3A_83 = vector.broadcast %jit3A_82 : i32 to vector<8x2048xi32>
    %select_n3A = arith.select %lt3A_81, %broadcast_in_dim3A, %broadcast_in_dim3A_83 : vector<8x2048xi1>, vector<8x2048xi32>
    %xor3A = arith.xori %bitcast_convert_type3A, %select_n3A : vector<8x2048xi32>
    %broadcast_in_dim3A_84 = arith.constant 0 : i32
    %broadcast_in_dim3A_85 = vector.broadcast %broadcast_in_dim3A_84 : i32 to vector<8x1xi32>
    %ge3A = vector.broadcast %broadcast_in_dim3A_85 : vector<8x1xi32> to vector<8x2048xi32>
    %ge3A_86 = arith.cmpi sge, %xor3A, %ge3A : vector<8x2048xi32>
    %jit3A_87 = arith.constant 1 : i32
    %jit3A_88 = arith.constant 0 : i32
    %broadcast_in_dim3A_89 = vector.broadcast %jit3A_87 : i32 to vector<8x2048xi32>
    %broadcast_in_dim3A_90 = vector.broadcast %jit3A_88 : i32 to vector<8x2048xi32>
    %select_n3A_91 = arith.select %ge3A_86, %broadcast_in_dim3A_89, %broadcast_in_dim3A_90 : vector<8x2048xi1>, vector<8x2048xi32>
    %reduce_sum3A = arith.constant dense<0> : vector<8xi32>
    %reduce_sum3A_92 = vector.multi_reduction <add>, %select_n3A_91, %reduce_sum3A [1] : vector<8x2048xi32> to vector<8xi32>
    %broadcast_in_dim3A_93 = vector.shape_cast %reduce_sum3A_92 : vector<8xi32> to vector<8x1xi32>
    %ge3A_94 = arith.constant 64 : i32
    %ge3A_95 = vector.broadcast %ge3A_94 : i32 to vector<8x1xi32>
    %ge3A_96 = arith.cmpi sge, %broadcast_in_dim3A_93, %ge3A_95 : vector<8x1xi32>
    %jit3A_97 = arith.constant 0 : i32
    %jit3A_98 = arith.constant -2147483648 : i32
    %broadcast_in_dim3A_99 = vector.broadcast %jit3A_97 : i32 to vector<8x1xi32>
    %broadcast_in_dim3A_100 = vector.broadcast %jit3A_98 : i32 to vector<8x1xi32>
    %select_n3A_101 = arith.select %ge3A_96, %broadcast_in_dim3A_99, %broadcast_in_dim3A_100 : vector<8x1xi1>, vector<8x1xi32>
    %or3A = arith.constant 1073741824 : i32
    %or3A_102 = vector.broadcast %or3A : i32 to vector<8x1xi32>
    %or3A_103 = arith.ori %select_n3A_101, %or3A_102 : vector<8x1xi32>
    %ge3A_104 = vector.broadcast %or3A_103 : vector<8x1xi32> to vector<8x2048xi32>
    %ge3A_105 = arith.cmpi sge, %xor3A, %ge3A_104 : vector<8x2048xi32>
    %jit3A_106 = arith.constant 1 : i32
    %jit3A_107 = arith.constant 0 : i32
    %broadcast_in_dim3A_108 = vector.broadcast %jit3A_106 : i32 to vector<8x2048xi32>
    %broadcast_in_dim3A_109 = vector.broadcast %jit3A_107 : i32 to vector<8x2048xi32>
    %select_n3A_110 = arith.select %ge3A_105, %broadcast_in_dim3A_108, %broadcast_in_dim3A_109 : vector<8x2048xi1>, vector<8x2048xi32>
    %reduce_sum3A_111 = arith.constant dense<0> : vector<8xi32>
    %reduce_sum3A_112 = vector.multi_reduction <add>, %select_n3A_110, %reduce_sum3A_111 [1] : vector<8x2048xi32> to vector<8xi32>
    %broadcast_in_dim3A_113 = vector.shape_cast %reduce_sum3A_112 : vector<8xi32> to vector<8x1xi32>
    %ge3A_114 = arith.constant 64 : i32
    %ge3A_115 = vector.broadcast %ge3A_114 : i32 to vector<8x1xi32>
    %ge3A_116 = arith.cmpi sge, %broadcast_in_dim3A_113, %ge3A_115 : vector<8x1xi32>
    %select_n3A_117 = arith.select %ge3A_116, %or3A_103, %select_n3A_101 : vector<8x1xi1>, vector<8x1xi32>
    %or3A_118 = arith.constant 536870912 : i32
    %or3A_119 = vector.broadcast %or3A_118 : i32 to vector<8x1xi32>
    %or3A_120 = arith.ori %select_n3A_117, %or3A_119 : vector<8x1xi32>
    %ge3A_121 = vector.broadcast %or3A_120 : vector<8x1xi32> to vector<8x2048xi32>
    %ge3A_122 = arith.cmpi sge, %xor3A, %ge3A_121 : vector<8x2048xi32>
    %jit3A_123 = arith.constant 1 : i32
    %jit3A_124 = arith.constant 0 : i32
    %broadcast_in_dim3A_125 = vector.broadcast %jit3A_123 : i32 to vector<8x2048xi32>
    %broadcast_in_dim3A_126 = vector.broadcast %jit3A_124 : i32 to vector<8x2048xi32>
    %select_n3A_127 = arith.select %ge3A_122, %broadcast_in_dim3A_125, %broadcast_in_dim3A_126 : vector<8x2048xi1>, vector<8x2048xi32>
    %reduce_sum3A_128 = arith.constant dense<0> : vector<8xi32>
    %reduce_sum3A_129 = vector.multi_reduction <add>, %select_n3A_127, %reduce_sum3A_128 [1] : vector<8x2048xi32> to vector<8xi32>
    %broadcast_in_dim3A_130 = vector.shape_cast %reduce_sum3A_129 : vector<8xi32> to vector<8x1xi32>
    %ge3A_131 = arith.constant 64 : i32
    %ge3A_132 = vector.broadcast %ge3A_131 : i32 to vector<8x1xi32>
    %ge3A_133 = arith.cmpi sge, %broadcast_in_dim3A_130, %ge3A_132 : vector<8x1xi32>
    %select_n3A_134 = arith.select %ge3A_133, %or3A_120, %select_n3A_117 : vector<8x1xi1>, vector<8x1xi32>
    %or3A_135 = arith.constant 268435456 : i32
    %or3A_136 = vector.broadcast %or3A_135 : i32 to vector<8x1xi32>
    %or3A_137 = arith.ori %select_n3A_134, %or3A_136 : vector<8x1xi32>
    %ge3A_138 = vector.broadcast %or3A_137 : vector<8x1xi32> to vector<8x2048xi32>
    %ge3A_139 = arith.cmpi sge, %xor3A, %ge3A_138 : vector<8x2048xi32>
    %jit3A_140 = arith.constant 1 : i32
    %jit3A_141 = arith.constant 0 : i32
    %broadcast_in_dim3A_142 = vector.broadcast %jit3A_140 : i32 to vector<8x2048xi32>
    %broadcast_in_dim3A_143 = vector.broadcast %jit3A_141 : i32 to vector<8x2048xi32>
    %select_n3A_144 = arith.select %ge3A_139, %broadcast_in_dim3A_142, %broadcast_in_dim3A_143 : vector<8x2048xi1>, vector<8x2048xi32>
    %reduce_sum3A_145 = arith.constant dense<0> : vector<8xi32>
    %reduce_sum3A_146 = vector.multi_reduction <add>, %select_n3A_144, %reduce_sum3A_145 [1] : vector<8x2048xi32> to vector<8xi32>
    %broadcast_in_dim3A_147 = vector.shape_cast %reduce_sum3A_146 : vector<8xi32> to vector<8x1xi32>
    %ge3A_148 = arith.constant 64 : i32
    %ge3A_149 = vector.broadcast %ge3A_148 : i32 to vector<8x1xi32>
    %ge3A_150 = arith.cmpi sge, %broadcast_in_dim3A_147, %ge3A_149 : vector<8x1xi32>
    %select_n3A_151 = arith.select %ge3A_150, %or3A_137, %select_n3A_134 : vector<8x1xi1>, vector<8x1xi32>
    %or3A_152 = arith.constant 134217728 : i32
    %or3A_153 = vector.broadcast %or3A_152 : i32 to vector<8x1xi32>
    %or3A_154 = arith.ori %select_n3A_151, %or3A_153 : vector<8x1xi32>
    %ge3A_155 = vector.broadcast %or3A_154 : vector<8x1xi32> to vector<8x2048xi32>
    %ge3A_156 = arith.cmpi sge, %xor3A, %ge3A_155 : vector<8x2048xi32>
    %jit3A_157 = arith.constant 1 : i32
    %jit3A_158 = arith.constant 0 : i32
    %broadcast_in_dim3A_159 = vector.broadcast %jit3A_157 : i32 to vector<8x2048xi32>
    %broadcast_in_dim3A_160 = vector.broadcast %jit3A_158 : i32 to vector<8x2048xi32>
    %select_n3A_161 = arith.select %ge3A_156, %broadcast_in_dim3A_159, %broadcast_in_dim3A_160 : vector<8x2048xi1>, vector<8x2048xi32>
    %reduce_sum3A_162 = arith.constant dense<0> : vector<8xi32>
    %reduce_sum3A_163 = vector.multi_reduction <add>, %select_n3A_161, %reduce_sum3A_162 [1] : vector<8x2048xi32> to vector<8xi32>
    %broadcast_in_dim3A_164 = vector.shape_cast %reduce_sum3A_163 : vector<8xi32> to vector<8x1xi32>
    %ge3A_165 = arith.constant 64 : i32
    %ge3A_166 = vector.broadcast %ge3A_165 : i32 to vector<8x1xi32>
    %ge3A_167 = arith.cmpi sge, %broadcast_in_dim3A_164, %ge3A_166 : vector<8x1xi32>
    %select_n3A_168 = arith.select %ge3A_167, %or3A_154, %select_n3A_151 : vector<8x1xi1>, vector<8x1xi32>
    %or3A_169 = arith.constant 67108864 : i32
    %or3A_170 = vector.broadcast %or3A_169 : i32 to vector<8x1xi32>
    %or3A_171 = arith.ori %select_n3A_168, %or3A_170 : vector<8x1xi32>
    %ge3A_172 = vector.broadcast %or3A_171 : vector<8x1xi32> to vector<8x2048xi32>
    %ge3A_173 = arith.cmpi sge, %xor3A, %ge3A_172 : vector<8x2048xi32>
    %jit3A_174 = arith.constant 1 : i32
    %jit3A_175 = arith.constant 0 : i32
    %broadcast_in_dim3A_176 = vector.broadcast %jit3A_174 : i32 to vector<8x2048xi32>
    %broadcast_in_dim3A_177 = vector.broadcast %jit3A_175 : i32 to vector<8x2048xi32>
    %select_n3A_178 = arith.select %ge3A_173, %broadcast_in_dim3A_176, %broadcast_in_dim3A_177 : vector<8x2048xi1>, vector<8x2048xi32>
    %reduce_sum3A_179 = arith.constant dense<0> : vector<8xi32>
    %reduce_sum3A_180 = vector.multi_reduction <add>, %select_n3A_178, %reduce_sum3A_179 [1] : vector<8x2048xi32> to vector<8xi32>
    %broadcast_in_dim3A_181 = vector.shape_cast %reduce_sum3A_180 : vector<8xi32> to vector<8x1xi32>
    %ge3A_182 = arith.constant 64 : i32
    %ge3A_183 = vector.broadcast %ge3A_182 : i32 to vector<8x1xi32>
    %ge3A_184 = arith.cmpi sge, %broadcast_in_dim3A_181, %ge3A_183 : vector<8x1xi32>
    %select_n3A_185 = arith.select %ge3A_184, %or3A_171, %select_n3A_168 : vector<8x1xi1>, vector<8x1xi32>
    %or3A_186 = arith.constant 33554432 : i32
    %or3A_187 = vector.broadcast %or3A_186 : i32 to vector<8x1xi32>
    %or3A_188 = arith.ori %select_n3A_185, %or3A_187 : vector<8x1xi32>
    %ge3A_189 = vector.broadcast %or3A_188 : vector<8x1xi32> to vector<8x2048xi32>
    %ge3A_190 = arith.cmpi sge, %xor3A, %ge3A_189 : vector<8x2048xi32>
    %jit3A_191 = arith.constant 1 : i32
    %jit3A_192 = arith.constant 0 : i32
    %broadcast_in_dim3A_193 = vector.broadcast %jit3A_191 : i32 to vector<8x2048xi32>
    %broadcast_in_dim3A_194 = vector.broadcast %jit3A_192 : i32 to vector<8x2048xi32>
    %select_n3A_195 = arith.select %ge3A_190, %broadcast_in_dim3A_193, %broadcast_in_dim3A_194 : vector<8x2048xi1>, vector<8x2048xi32>
    %reduce_sum3A_196 = arith.constant dense<0> : vector<8xi32>
    %reduce_sum3A_197 = vector.multi_reduction <add>, %select_n3A_195, %reduce_sum3A_196 [1] : vector<8x2048xi32> to vector<8xi32>
    %broadcast_in_dim3A_198 = vector.shape_cast %reduce_sum3A_197 : vector<8xi32> to vector<8x1xi32>
    %ge3A_199 = arith.constant 64 : i32
    %ge3A_200 = vector.broadcast %ge3A_199 : i32 to vector<8x1xi32>
    %ge3A_201 = arith.cmpi sge, %broadcast_in_dim3A_198, %ge3A_200 : vector<8x1xi32>
    %select_n3A_202 = arith.select %ge3A_201, %or3A_188, %select_n3A_185 : vector<8x1xi1>, vector<8x1xi32>
    %or3A_203 = arith.constant 16777216 : i32
    %or3A_204 = vector.broadcast %or3A_203 : i32 to vector<8x1xi32>
    %or3A_205 = arith.ori %select_n3A_202, %or3A_204 : vector<8x1xi32>
    %ge3A_206 = vector.broadcast %or3A_205 : vector<8x1xi32> to vector<8x2048xi32>
    %ge3A_207 = arith.cmpi sge, %xor3A, %ge3A_206 : vector<8x2048xi32>
    %jit3A_208 = arith.constant 1 : i32
    %jit3A_209 = arith.constant 0 : i32
    %broadcast_in_dim3A_210 = vector.broadcast %jit3A_208 : i32 to vector<8x2048xi32>
    %broadcast_in_dim3A_211 = vector.broadcast %jit3A_209 : i32 to vector<8x2048xi32>
    %select_n3A_212 = arith.select %ge3A_207, %broadcast_in_dim3A_210, %broadcast_in_dim3A_211 : vector<8x2048xi1>, vector<8x2048xi32>
    %reduce_sum3A_213 = arith.constant dense<0> : vector<8xi32>
    %reduce_sum3A_214 = vector.multi_reduction <add>, %select_n3A_212, %reduce_sum3A_213 [1] : vector<8x2048xi32> to vector<8xi32>
    %broadcast_in_dim3A_215 = vector.shape_cast %reduce_sum3A_214 : vector<8xi32> to vector<8x1xi32>
    %ge3A_216 = arith.constant 64 : i32
    %ge3A_217 = vector.broadcast %ge3A_216 : i32 to vector<8x1xi32>
    %ge3A_218 = arith.cmpi sge, %broadcast_in_dim3A_215, %ge3A_217 : vector<8x1xi32>
    %select_n3A_219 = arith.select %ge3A_218, %or3A_205, %select_n3A_202 : vector<8x1xi1>, vector<8x1xi32>
    %or3A_220 = arith.constant 8388608 : i32
    %or3A_221 = vector.broadcast %or3A_220 : i32 to vector<8x1xi32>
    %or3A_222 = arith.ori %select_n3A_219, %or3A_221 : vector<8x1xi32>
    %ge3A_223 = vector.broadcast %or3A_222 : vector<8x1xi32> to vector<8x2048xi32>
    %ge3A_224 = arith.cmpi sge, %xor3A, %ge3A_223 : vector<8x2048xi32>
    %jit3A_225 = arith.constant 1 : i32
    %jit3A_226 = arith.constant 0 : i32
    %broadcast_in_dim3A_227 = vector.broadcast %jit3A_225 : i32 to vector<8x2048xi32>
    %broadcast_in_dim3A_228 = vector.broadcast %jit3A_226 : i32 to vector<8x2048xi32>
    %select_n3A_229 = arith.select %ge3A_224, %broadcast_in_dim3A_227, %broadcast_in_dim3A_228 : vector<8x2048xi1>, vector<8x2048xi32>
    %reduce_sum3A_230 = arith.constant dense<0> : vector<8xi32>
    %reduce_sum3A_231 = vector.multi_reduction <add>, %select_n3A_229, %reduce_sum3A_230 [1] : vector<8x2048xi32> to vector<8xi32>
    %broadcast_in_dim3A_232 = vector.shape_cast %reduce_sum3A_231 : vector<8xi32> to vector<8x1xi32>
    %ge3A_233 = arith.constant 64 : i32
    %ge3A_234 = vector.broadcast %ge3A_233 : i32 to vector<8x1xi32>
    %ge3A_235 = arith.cmpi sge, %broadcast_in_dim3A_232, %ge3A_234 : vector<8x1xi32>
    %select_n3A_236 = arith.select %ge3A_235, %or3A_222, %select_n3A_219 : vector<8x1xi1>, vector<8x1xi32>
    %or3A_237 = arith.constant 4194304 : i32
    %or3A_238 = vector.broadcast %or3A_237 : i32 to vector<8x1xi32>
    %or3A_239 = arith.ori %select_n3A_236, %or3A_238 : vector<8x1xi32>
    %ge3A_240 = vector.broadcast %or3A_239 : vector<8x1xi32> to vector<8x2048xi32>
    %ge3A_241 = arith.cmpi sge, %xor3A, %ge3A_240 : vector<8x2048xi32>
    %jit3A_242 = arith.constant 1 : i32
    %jit3A_243 = arith.constant 0 : i32
    %broadcast_in_dim3A_244 = vector.broadcast %jit3A_242 : i32 to vector<8x2048xi32>
    %broadcast_in_dim3A_245 = vector.broadcast %jit3A_243 : i32 to vector<8x2048xi32>
    %select_n3A_246 = arith.select %ge3A_241, %broadcast_in_dim3A_244, %broadcast_in_dim3A_245 : vector<8x2048xi1>, vector<8x2048xi32>
    %reduce_sum3A_247 = arith.constant dense<0> : vector<8xi32>
    %reduce_sum3A_248 = vector.multi_reduction <add>, %select_n3A_246, %reduce_sum3A_247 [1] : vector<8x2048xi32> to vector<8xi32>
    %broadcast_in_dim3A_249 = vector.shape_cast %reduce_sum3A_248 : vector<8xi32> to vector<8x1xi32>
    %ge3A_250 = arith.constant 64 : i32
    %ge3A_251 = vector.broadcast %ge3A_250 : i32 to vector<8x1xi32>
    %ge3A_252 = arith.cmpi sge, %broadcast_in_dim3A_249, %ge3A_251 : vector<8x1xi32>
    %select_n3A_253 = arith.select %ge3A_252, %or3A_239, %select_n3A_236 : vector<8x1xi1>, vector<8x1xi32>
    %or3A_254 = arith.constant 2097152 : i32
    %or3A_255 = vector.broadcast %or3A_254 : i32 to vector<8x1xi32>
    %or3A_256 = arith.ori %select_n3A_253, %or3A_255 : vector<8x1xi32>
    %ge3A_257 = vector.broadcast %or3A_256 : vector<8x1xi32> to vector<8x2048xi32>
    %ge3A_258 = arith.cmpi sge, %xor3A, %ge3A_257 : vector<8x2048xi32>
    %jit3A_259 = arith.constant 1 : i32
    %jit3A_260 = arith.constant 0 : i32
    %broadcast_in_dim3A_261 = vector.broadcast %jit3A_259 : i32 to vector<8x2048xi32>
    %broadcast_in_dim3A_262 = vector.broadcast %jit3A_260 : i32 to vector<8x2048xi32>
    %select_n3A_263 = arith.select %ge3A_258, %broadcast_in_dim3A_261, %broadcast_in_dim3A_262 : vector<8x2048xi1>, vector<8x2048xi32>
    %reduce_sum3A_264 = arith.constant dense<0> : vector<8xi32>
    %reduce_sum3A_265 = vector.multi_reduction <add>, %select_n3A_263, %reduce_sum3A_264 [1] : vector<8x2048xi32> to vector<8xi32>
    %broadcast_in_dim3A_266 = vector.shape_cast %reduce_sum3A_265 : vector<8xi32> to vector<8x1xi32>
    %ge3A_267 = arith.constant 64 : i32
    %ge3A_268 = vector.broadcast %ge3A_267 : i32 to vector<8x1xi32>
    %ge3A_269 = arith.cmpi sge, %broadcast_in_dim3A_266, %ge3A_268 : vector<8x1xi32>
    %select_n3A_270 = arith.select %ge3A_269, %or3A_256, %select_n3A_253 : vector<8x1xi1>, vector<8x1xi32>
    %or3A_271 = arith.constant 1048576 : i32
    %or3A_272 = vector.broadcast %or3A_271 : i32 to vector<8x1xi32>
    %or3A_273 = arith.ori %select_n3A_270, %or3A_272 : vector<8x1xi32>
    %ge3A_274 = vector.broadcast %or3A_273 : vector<8x1xi32> to vector<8x2048xi32>
    %ge3A_275 = arith.cmpi sge, %xor3A, %ge3A_274 : vector<8x2048xi32>
    %jit3A_276 = arith.constant 1 : i32
    %jit3A_277 = arith.constant 0 : i32
    %broadcast_in_dim3A_278 = vector.broadcast %jit3A_276 : i32 to vector<8x2048xi32>
    %broadcast_in_dim3A_279 = vector.broadcast %jit3A_277 : i32 to vector<8x2048xi32>
    %select_n3A_280 = arith.select %ge3A_275, %broadcast_in_dim3A_278, %broadcast_in_dim3A_279 : vector<8x2048xi1>, vector<8x2048xi32>
    %reduce_sum3A_281 = arith.constant dense<0> : vector<8xi32>
    %reduce_sum3A_282 = vector.multi_reduction <add>, %select_n3A_280, %reduce_sum3A_281 [1] : vector<8x2048xi32> to vector<8xi32>
    %broadcast_in_dim3A_283 = vector.shape_cast %reduce_sum3A_282 : vector<8xi32> to vector<8x1xi32>
    %ge3A_284 = arith.constant 64 : i32
    %ge3A_285 = vector.broadcast %ge3A_284 : i32 to vector<8x1xi32>
    %ge3A_286 = arith.cmpi sge, %broadcast_in_dim3A_283, %ge3A_285 : vector<8x1xi32>
    %select_n3A_287 = arith.select %ge3A_286, %or3A_273, %select_n3A_270 : vector<8x1xi1>, vector<8x1xi32>
    %or3A_288 = arith.constant 524288 : i32
    %or3A_289 = vector.broadcast %or3A_288 : i32 to vector<8x1xi32>
    %or3A_290 = arith.ori %select_n3A_287, %or3A_289 : vector<8x1xi32>
    %ge3A_291 = vector.broadcast %or3A_290 : vector<8x1xi32> to vector<8x2048xi32>
    %ge3A_292 = arith.cmpi sge, %xor3A, %ge3A_291 : vector<8x2048xi32>
    %jit3A_293 = arith.constant 1 : i32
    %jit3A_294 = arith.constant 0 : i32
    %broadcast_in_dim3A_295 = vector.broadcast %jit3A_293 : i32 to vector<8x2048xi32>
    %broadcast_in_dim3A_296 = vector.broadcast %jit3A_294 : i32 to vector<8x2048xi32>
    %select_n3A_297 = arith.select %ge3A_292, %broadcast_in_dim3A_295, %broadcast_in_dim3A_296 : vector<8x2048xi1>, vector<8x2048xi32>
    %reduce_sum3A_298 = arith.constant dense<0> : vector<8xi32>
    %reduce_sum3A_299 = vector.multi_reduction <add>, %select_n3A_297, %reduce_sum3A_298 [1] : vector<8x2048xi32> to vector<8xi32>
    %broadcast_in_dim3A_300 = vector.shape_cast %reduce_sum3A_299 : vector<8xi32> to vector<8x1xi32>
    %ge3A_301 = arith.constant 64 : i32
    %ge3A_302 = vector.broadcast %ge3A_301 : i32 to vector<8x1xi32>
    %ge3A_303 = arith.cmpi sge, %broadcast_in_dim3A_300, %ge3A_302 : vector<8x1xi32>
    %select_n3A_304 = arith.select %ge3A_303, %or3A_290, %select_n3A_287 : vector<8x1xi1>, vector<8x1xi32>
    %or3A_305 = arith.constant 262144 : i32
    %or3A_306 = vector.broadcast %or3A_305 : i32 to vector<8x1xi32>
    %or3A_307 = arith.ori %select_n3A_304, %or3A_306 : vector<8x1xi32>
    %ge3A_308 = vector.broadcast %or3A_307 : vector<8x1xi32> to vector<8x2048xi32>
    %ge3A_309 = arith.cmpi sge, %xor3A, %ge3A_308 : vector<8x2048xi32>
    %jit3A_310 = arith.constant 1 : i32
    %jit3A_311 = arith.constant 0 : i32
    %broadcast_in_dim3A_312 = vector.broadcast %jit3A_310 : i32 to vector<8x2048xi32>
    %broadcast_in_dim3A_313 = vector.broadcast %jit3A_311 : i32 to vector<8x2048xi32>
    %select_n3A_314 = arith.select %ge3A_309, %broadcast_in_dim3A_312, %broadcast_in_dim3A_313 : vector<8x2048xi1>, vector<8x2048xi32>
    %reduce_sum3A_315 = arith.constant dense<0> : vector<8xi32>
    %reduce_sum3A_316 = vector.multi_reduction <add>, %select_n3A_314, %reduce_sum3A_315 [1] : vector<8x2048xi32> to vector<8xi32>
    %broadcast_in_dim3A_317 = vector.shape_cast %reduce_sum3A_316 : vector<8xi32> to vector<8x1xi32>
    %ge3A_318 = arith.constant 64 : i32
    %ge3A_319 = vector.broadcast %ge3A_318 : i32 to vector<8x1xi32>
    %ge3A_320 = arith.cmpi sge, %broadcast_in_dim3A_317, %ge3A_319 : vector<8x1xi32>
    %select_n3A_321 = arith.select %ge3A_320, %or3A_307, %select_n3A_304 : vector<8x1xi1>, vector<8x1xi32>
    %or3A_322 = arith.constant 131072 : i32
    %or3A_323 = vector.broadcast %or3A_322 : i32 to vector<8x1xi32>
    %or3A_324 = arith.ori %select_n3A_321, %or3A_323 : vector<8x1xi32>
    %ge3A_325 = vector.broadcast %or3A_324 : vector<8x1xi32> to vector<8x2048xi32>
    %ge3A_326 = arith.cmpi sge, %xor3A, %ge3A_325 : vector<8x2048xi32>
    %jit3A_327 = arith.constant 1 : i32
    %jit3A_328 = arith.constant 0 : i32
    %broadcast_in_dim3A_329 = vector.broadcast %jit3A_327 : i32 to vector<8x2048xi32>
    %broadcast_in_dim3A_330 = vector.broadcast %jit3A_328 : i32 to vector<8x2048xi32>
    %select_n3A_331 = arith.select %ge3A_326, %broadcast_in_dim3A_329, %broadcast_in_dim3A_330 : vector<8x2048xi1>, vector<8x2048xi32>
    %reduce_sum3A_332 = arith.constant dense<0> : vector<8xi32>
    %reduce_sum3A_333 = vector.multi_reduction <add>, %select_n3A_331, %reduce_sum3A_332 [1] : vector<8x2048xi32> to vector<8xi32>
    %broadcast_in_dim3A_334 = vector.shape_cast %reduce_sum3A_333 : vector<8xi32> to vector<8x1xi32>
    %ge3A_335 = arith.constant 64 : i32
    %ge3A_336 = vector.broadcast %ge3A_335 : i32 to vector<8x1xi32>
    %ge3A_337 = arith.cmpi sge, %broadcast_in_dim3A_334, %ge3A_336 : vector<8x1xi32>
    %select_n3A_338 = arith.select %ge3A_337, %or3A_324, %select_n3A_321 : vector<8x1xi1>, vector<8x1xi32>
    %or3A_339 = arith.constant 65536 : i32
    %or3A_340 = vector.broadcast %or3A_339 : i32 to vector<8x1xi32>
    %or3A_341 = arith.ori %select_n3A_338, %or3A_340 : vector<8x1xi32>
    %ge3A_342 = vector.broadcast %or3A_341 : vector<8x1xi32> to vector<8x2048xi32>
    %ge3A_343 = arith.cmpi sge, %xor3A, %ge3A_342 : vector<8x2048xi32>
    %jit3A_344 = arith.constant 1 : i32
    %jit3A_345 = arith.constant 0 : i32
    %broadcast_in_dim3A_346 = vector.broadcast %jit3A_344 : i32 to vector<8x2048xi32>
    %broadcast_in_dim3A_347 = vector.broadcast %jit3A_345 : i32 to vector<8x2048xi32>
    %select_n3A_348 = arith.select %ge3A_343, %broadcast_in_dim3A_346, %broadcast_in_dim3A_347 : vector<8x2048xi1>, vector<8x2048xi32>
    %reduce_sum3A_349 = arith.constant dense<0> : vector<8xi32>
    %reduce_sum3A_350 = vector.multi_reduction <add>, %select_n3A_348, %reduce_sum3A_349 [1] : vector<8x2048xi32> to vector<8xi32>
    %broadcast_in_dim3A_351 = vector.shape_cast %reduce_sum3A_350 : vector<8xi32> to vector<8x1xi32>
    %ge3A_352 = arith.constant 64 : i32
    %ge3A_353 = vector.broadcast %ge3A_352 : i32 to vector<8x1xi32>
    %ge3A_354 = arith.cmpi sge, %broadcast_in_dim3A_351, %ge3A_353 : vector<8x1xi32>
    %select_n3A_355 = arith.select %ge3A_354, %or3A_341, %select_n3A_338 : vector<8x1xi1>, vector<8x1xi32>
    %or3A_356 = arith.constant 32768 : i32
    %or3A_357 = vector.broadcast %or3A_356 : i32 to vector<8x1xi32>
    %or3A_358 = arith.ori %select_n3A_355, %or3A_357 : vector<8x1xi32>
    %ge3A_359 = vector.broadcast %or3A_358 : vector<8x1xi32> to vector<8x2048xi32>
    %ge3A_360 = arith.cmpi sge, %xor3A, %ge3A_359 : vector<8x2048xi32>
    %jit3A_361 = arith.constant 1 : i32
    %jit3A_362 = arith.constant 0 : i32
    %broadcast_in_dim3A_363 = vector.broadcast %jit3A_361 : i32 to vector<8x2048xi32>
    %broadcast_in_dim3A_364 = vector.broadcast %jit3A_362 : i32 to vector<8x2048xi32>
    %select_n3A_365 = arith.select %ge3A_360, %broadcast_in_dim3A_363, %broadcast_in_dim3A_364 : vector<8x2048xi1>, vector<8x2048xi32>
    %reduce_sum3A_366 = arith.constant dense<0> : vector<8xi32>
    %reduce_sum3A_367 = vector.multi_reduction <add>, %select_n3A_365, %reduce_sum3A_366 [1] : vector<8x2048xi32> to vector<8xi32>
    %broadcast_in_dim3A_368 = vector.shape_cast %reduce_sum3A_367 : vector<8xi32> to vector<8x1xi32>
    %ge3A_369 = arith.constant 64 : i32
    %ge3A_370 = vector.broadcast %ge3A_369 : i32 to vector<8x1xi32>
    %ge3A_371 = arith.cmpi sge, %broadcast_in_dim3A_368, %ge3A_370 : vector<8x1xi32>
    %select_n3A_372 = arith.select %ge3A_371, %or3A_358, %select_n3A_355 : vector<8x1xi1>, vector<8x1xi32>
    %or3A_373 = arith.constant 16384 : i32
    %or3A_374 = vector.broadcast %or3A_373 : i32 to vector<8x1xi32>
    %or3A_375 = arith.ori %select_n3A_372, %or3A_374 : vector<8x1xi32>
    %ge3A_376 = vector.broadcast %or3A_375 : vector<8x1xi32> to vector<8x2048xi32>
    %ge3A_377 = arith.cmpi sge, %xor3A, %ge3A_376 : vector<8x2048xi32>
    %jit3A_378 = arith.constant 1 : i32
    %jit3A_379 = arith.constant 0 : i32
    %broadcast_in_dim3A_380 = vector.broadcast %jit3A_378 : i32 to vector<8x2048xi32>
    %broadcast_in_dim3A_381 = vector.broadcast %jit3A_379 : i32 to vector<8x2048xi32>
    %select_n3A_382 = arith.select %ge3A_377, %broadcast_in_dim3A_380, %broadcast_in_dim3A_381 : vector<8x2048xi1>, vector<8x2048xi32>
    %reduce_sum3A_383 = arith.constant dense<0> : vector<8xi32>
    %reduce_sum3A_384 = vector.multi_reduction <add>, %select_n3A_382, %reduce_sum3A_383 [1] : vector<8x2048xi32> to vector<8xi32>
    %broadcast_in_dim3A_385 = vector.shape_cast %reduce_sum3A_384 : vector<8xi32> to vector<8x1xi32>
    %ge3A_386 = arith.constant 64 : i32
    %ge3A_387 = vector.broadcast %ge3A_386 : i32 to vector<8x1xi32>
    %ge3A_388 = arith.cmpi sge, %broadcast_in_dim3A_385, %ge3A_387 : vector<8x1xi32>
    %select_n3A_389 = arith.select %ge3A_388, %or3A_375, %select_n3A_372 : vector<8x1xi1>, vector<8x1xi32>
    %or3A_390 = arith.constant 8192 : i32
    %or3A_391 = vector.broadcast %or3A_390 : i32 to vector<8x1xi32>
    %or3A_392 = arith.ori %select_n3A_389, %or3A_391 : vector<8x1xi32>
    %ge3A_393 = vector.broadcast %or3A_392 : vector<8x1xi32> to vector<8x2048xi32>
    %ge3A_394 = arith.cmpi sge, %xor3A, %ge3A_393 : vector<8x2048xi32>
    %jit3A_395 = arith.constant 1 : i32
    %jit3A_396 = arith.constant 0 : i32
    %broadcast_in_dim3A_397 = vector.broadcast %jit3A_395 : i32 to vector<8x2048xi32>
    %broadcast_in_dim3A_398 = vector.broadcast %jit3A_396 : i32 to vector<8x2048xi32>
    %select_n3A_399 = arith.select %ge3A_394, %broadcast_in_dim3A_397, %broadcast_in_dim3A_398 : vector<8x2048xi1>, vector<8x2048xi32>
    %reduce_sum3A_400 = arith.constant dense<0> : vector<8xi32>
    %reduce_sum3A_401 = vector.multi_reduction <add>, %select_n3A_399, %reduce_sum3A_400 [1] : vector<8x2048xi32> to vector<8xi32>
    %broadcast_in_dim3A_402 = vector.shape_cast %reduce_sum3A_401 : vector<8xi32> to vector<8x1xi32>
    %ge3A_403 = arith.constant 64 : i32
    %ge3A_404 = vector.broadcast %ge3A_403 : i32 to vector<8x1xi32>
    %ge3A_405 = arith.cmpi sge, %broadcast_in_dim3A_402, %ge3A_404 : vector<8x1xi32>
    %select_n3A_406 = arith.select %ge3A_405, %or3A_392, %select_n3A_389 : vector<8x1xi1>, vector<8x1xi32>
    %or3A_407 = arith.constant 4096 : i32
    %or3A_408 = vector.broadcast %or3A_407 : i32 to vector<8x1xi32>
    %or3A_409 = arith.ori %select_n3A_406, %or3A_408 : vector<8x1xi32>
    %ge3A_410 = vector.broadcast %or3A_409 : vector<8x1xi32> to vector<8x2048xi32>
    %ge3A_411 = arith.cmpi sge, %xor3A, %ge3A_410 : vector<8x2048xi32>
    %jit3A_412 = arith.constant 1 : i32
    %jit3A_413 = arith.constant 0 : i32
    %broadcast_in_dim3A_414 = vector.broadcast %jit3A_412 : i32 to vector<8x2048xi32>
    %broadcast_in_dim3A_415 = vector.broadcast %jit3A_413 : i32 to vector<8x2048xi32>
    %select_n3A_416 = arith.select %ge3A_411, %broadcast_in_dim3A_414, %broadcast_in_dim3A_415 : vector<8x2048xi1>, vector<8x2048xi32>
    %reduce_sum3A_417 = arith.constant dense<0> : vector<8xi32>
    %reduce_sum3A_418 = vector.multi_reduction <add>, %select_n3A_416, %reduce_sum3A_417 [1] : vector<8x2048xi32> to vector<8xi32>
    %broadcast_in_dim3A_419 = vector.shape_cast %reduce_sum3A_418 : vector<8xi32> to vector<8x1xi32>
    %ge3A_420 = arith.constant 64 : i32
    %ge3A_421 = vector.broadcast %ge3A_420 : i32 to vector<8x1xi32>
    %ge3A_422 = arith.cmpi sge, %broadcast_in_dim3A_419, %ge3A_421 : vector<8x1xi32>
    %select_n3A_423 = arith.select %ge3A_422, %or3A_409, %select_n3A_406 : vector<8x1xi1>, vector<8x1xi32>
    %or3A_424 = arith.constant 2048 : i32
    %or3A_425 = vector.broadcast %or3A_424 : i32 to vector<8x1xi32>
    %or3A_426 = arith.ori %select_n3A_423, %or3A_425 : vector<8x1xi32>
    %ge3A_427 = vector.broadcast %or3A_426 : vector<8x1xi32> to vector<8x2048xi32>
    %ge3A_428 = arith.cmpi sge, %xor3A, %ge3A_427 : vector<8x2048xi32>
    %jit3A_429 = arith.constant 1 : i32
    %jit3A_430 = arith.constant 0 : i32
    %broadcast_in_dim3A_431 = vector.broadcast %jit3A_429 : i32 to vector<8x2048xi32>
    %broadcast_in_dim3A_432 = vector.broadcast %jit3A_430 : i32 to vector<8x2048xi32>
    %select_n3A_433 = arith.select %ge3A_428, %broadcast_in_dim3A_431, %broadcast_in_dim3A_432 : vector<8x2048xi1>, vector<8x2048xi32>
    %reduce_sum3A_434 = arith.constant dense<0> : vector<8xi32>
    %reduce_sum3A_435 = vector.multi_reduction <add>, %select_n3A_433, %reduce_sum3A_434 [1] : vector<8x2048xi32> to vector<8xi32>
    %broadcast_in_dim3A_436 = vector.shape_cast %reduce_sum3A_435 : vector<8xi32> to vector<8x1xi32>
    %ge3A_437 = arith.constant 64 : i32
    %ge3A_438 = vector.broadcast %ge3A_437 : i32 to vector<8x1xi32>
    %ge3A_439 = arith.cmpi sge, %broadcast_in_dim3A_436, %ge3A_438 : vector<8x1xi32>
    %select_n3A_440 = arith.select %ge3A_439, %or3A_426, %select_n3A_423 : vector<8x1xi1>, vector<8x1xi32>
    %or3A_441 = arith.constant 1024 : i32
    %or3A_442 = vector.broadcast %or3A_441 : i32 to vector<8x1xi32>
    %or3A_443 = arith.ori %select_n3A_440, %or3A_442 : vector<8x1xi32>
    %ge3A_444 = vector.broadcast %or3A_443 : vector<8x1xi32> to vector<8x2048xi32>
    %ge3A_445 = arith.cmpi sge, %xor3A, %ge3A_444 : vector<8x2048xi32>
    %jit3A_446 = arith.constant 1 : i32
    %jit3A_447 = arith.constant 0 : i32
    %broadcast_in_dim3A_448 = vector.broadcast %jit3A_446 : i32 to vector<8x2048xi32>
    %broadcast_in_dim3A_449 = vector.broadcast %jit3A_447 : i32 to vector<8x2048xi32>
    %select_n3A_450 = arith.select %ge3A_445, %broadcast_in_dim3A_448, %broadcast_in_dim3A_449 : vector<8x2048xi1>, vector<8x2048xi32>
    %reduce_sum3A_451 = arith.constant dense<0> : vector<8xi32>
    %reduce_sum3A_452 = vector.multi_reduction <add>, %select_n3A_450, %reduce_sum3A_451 [1] : vector<8x2048xi32> to vector<8xi32>
    %broadcast_in_dim3A_453 = vector.shape_cast %reduce_sum3A_452 : vector<8xi32> to vector<8x1xi32>
    %ge3A_454 = arith.constant 64 : i32
    %ge3A_455 = vector.broadcast %ge3A_454 : i32 to vector<8x1xi32>
    %ge3A_456 = arith.cmpi sge, %broadcast_in_dim3A_453, %ge3A_455 : vector<8x1xi32>
    %select_n3A_457 = arith.select %ge3A_456, %or3A_443, %select_n3A_440 : vector<8x1xi1>, vector<8x1xi32>
    %or3A_458 = arith.constant 512 : i32
    %or3A_459 = vector.broadcast %or3A_458 : i32 to vector<8x1xi32>
    %or3A_460 = arith.ori %select_n3A_457, %or3A_459 : vector<8x1xi32>
    %ge3A_461 = vector.broadcast %or3A_460 : vector<8x1xi32> to vector<8x2048xi32>
    %ge3A_462 = arith.cmpi sge, %xor3A, %ge3A_461 : vector<8x2048xi32>
    %jit3A_463 = arith.constant 1 : i32
    %jit3A_464 = arith.constant 0 : i32
    %broadcast_in_dim3A_465 = vector.broadcast %jit3A_463 : i32 to vector<8x2048xi32>
    %broadcast_in_dim3A_466 = vector.broadcast %jit3A_464 : i32 to vector<8x2048xi32>
    %select_n3A_467 = arith.select %ge3A_462, %broadcast_in_dim3A_465, %broadcast_in_dim3A_466 : vector<8x2048xi1>, vector<8x2048xi32>
    %reduce_sum3A_468 = arith.constant dense<0> : vector<8xi32>
    %reduce_sum3A_469 = vector.multi_reduction <add>, %select_n3A_467, %reduce_sum3A_468 [1] : vector<8x2048xi32> to vector<8xi32>
    %broadcast_in_dim3A_470 = vector.shape_cast %reduce_sum3A_469 : vector<8xi32> to vector<8x1xi32>
    %ge3A_471 = arith.constant 64 : i32
    %ge3A_472 = vector.broadcast %ge3A_471 : i32 to vector<8x1xi32>
    %ge3A_473 = arith.cmpi sge, %broadcast_in_dim3A_470, %ge3A_472 : vector<8x1xi32>
    %select_n3A_474 = arith.select %ge3A_473, %or3A_460, %select_n3A_457 : vector<8x1xi1>, vector<8x1xi32>
    %or3A_475 = arith.constant 256 : i32
    %or3A_476 = vector.broadcast %or3A_475 : i32 to vector<8x1xi32>
    %or3A_477 = arith.ori %select_n3A_474, %or3A_476 : vector<8x1xi32>
    %ge3A_478 = vector.broadcast %or3A_477 : vector<8x1xi32> to vector<8x2048xi32>
    %ge3A_479 = arith.cmpi sge, %xor3A, %ge3A_478 : vector<8x2048xi32>
    %jit3A_480 = arith.constant 1 : i32
    %jit3A_481 = arith.constant 0 : i32
    %broadcast_in_dim3A_482 = vector.broadcast %jit3A_480 : i32 to vector<8x2048xi32>
    %broadcast_in_dim3A_483 = vector.broadcast %jit3A_481 : i32 to vector<8x2048xi32>
    %select_n3A_484 = arith.select %ge3A_479, %broadcast_in_dim3A_482, %broadcast_in_dim3A_483 : vector<8x2048xi1>, vector<8x2048xi32>
    %reduce_sum3A_485 = arith.constant dense<0> : vector<8xi32>
    %reduce_sum3A_486 = vector.multi_reduction <add>, %select_n3A_484, %reduce_sum3A_485 [1] : vector<8x2048xi32> to vector<8xi32>
    %broadcast_in_dim3A_487 = vector.shape_cast %reduce_sum3A_486 : vector<8xi32> to vector<8x1xi32>
    %ge3A_488 = arith.constant 64 : i32
    %ge3A_489 = vector.broadcast %ge3A_488 : i32 to vector<8x1xi32>
    %ge3A_490 = arith.cmpi sge, %broadcast_in_dim3A_487, %ge3A_489 : vector<8x1xi32>
    %select_n3A_491 = arith.select %ge3A_490, %or3A_477, %select_n3A_474 : vector<8x1xi1>, vector<8x1xi32>
    %or3A_492 = arith.constant 128 : i32
    %or3A_493 = vector.broadcast %or3A_492 : i32 to vector<8x1xi32>
    %or3A_494 = arith.ori %select_n3A_491, %or3A_493 : vector<8x1xi32>
    %ge3A_495 = vector.broadcast %or3A_494 : vector<8x1xi32> to vector<8x2048xi32>
    %ge3A_496 = arith.cmpi sge, %xor3A, %ge3A_495 : vector<8x2048xi32>
    %jit3A_497 = arith.constant 1 : i32
    %jit3A_498 = arith.constant 0 : i32
    %broadcast_in_dim3A_499 = vector.broadcast %jit3A_497 : i32 to vector<8x2048xi32>
    %broadcast_in_dim3A_500 = vector.broadcast %jit3A_498 : i32 to vector<8x2048xi32>
    %select_n3A_501 = arith.select %ge3A_496, %broadcast_in_dim3A_499, %broadcast_in_dim3A_500 : vector<8x2048xi1>, vector<8x2048xi32>
    %reduce_sum3A_502 = arith.constant dense<0> : vector<8xi32>
    %reduce_sum3A_503 = vector.multi_reduction <add>, %select_n3A_501, %reduce_sum3A_502 [1] : vector<8x2048xi32> to vector<8xi32>
    %broadcast_in_dim3A_504 = vector.shape_cast %reduce_sum3A_503 : vector<8xi32> to vector<8x1xi32>
    %ge3A_505 = arith.constant 64 : i32
    %ge3A_506 = vector.broadcast %ge3A_505 : i32 to vector<8x1xi32>
    %ge3A_507 = arith.cmpi sge, %broadcast_in_dim3A_504, %ge3A_506 : vector<8x1xi32>
    %select_n3A_508 = arith.select %ge3A_507, %or3A_494, %select_n3A_491 : vector<8x1xi1>, vector<8x1xi32>
    %or3A_509 = arith.constant 64 : i32
    %or3A_510 = vector.broadcast %or3A_509 : i32 to vector<8x1xi32>
    %or3A_511 = arith.ori %select_n3A_508, %or3A_510 : vector<8x1xi32>
    %ge3A_512 = vector.broadcast %or3A_511 : vector<8x1xi32> to vector<8x2048xi32>
    %ge3A_513 = arith.cmpi sge, %xor3A, %ge3A_512 : vector<8x2048xi32>
    %jit3A_514 = arith.constant 1 : i32
    %jit3A_515 = arith.constant 0 : i32
    %broadcast_in_dim3A_516 = vector.broadcast %jit3A_514 : i32 to vector<8x2048xi32>
    %broadcast_in_dim3A_517 = vector.broadcast %jit3A_515 : i32 to vector<8x2048xi32>
    %select_n3A_518 = arith.select %ge3A_513, %broadcast_in_dim3A_516, %broadcast_in_dim3A_517 : vector<8x2048xi1>, vector<8x2048xi32>
    %reduce_sum3A_519 = arith.constant dense<0> : vector<8xi32>
    %reduce_sum3A_520 = vector.multi_reduction <add>, %select_n3A_518, %reduce_sum3A_519 [1] : vector<8x2048xi32> to vector<8xi32>
    %broadcast_in_dim3A_521 = vector.shape_cast %reduce_sum3A_520 : vector<8xi32> to vector<8x1xi32>
    %ge3A_522 = arith.constant 64 : i32
    %ge3A_523 = vector.broadcast %ge3A_522 : i32 to vector<8x1xi32>
    %ge3A_524 = arith.cmpi sge, %broadcast_in_dim3A_521, %ge3A_523 : vector<8x1xi32>
    %select_n3A_525 = arith.select %ge3A_524, %or3A_511, %select_n3A_508 : vector<8x1xi1>, vector<8x1xi32>
    %or3A_526 = arith.constant 32 : i32
    %or3A_527 = vector.broadcast %or3A_526 : i32 to vector<8x1xi32>
    %or3A_528 = arith.ori %select_n3A_525, %or3A_527 : vector<8x1xi32>
    %ge3A_529 = vector.broadcast %or3A_528 : vector<8x1xi32> to vector<8x2048xi32>
    %ge3A_530 = arith.cmpi sge, %xor3A, %ge3A_529 : vector<8x2048xi32>
    %jit3A_531 = arith.constant 1 : i32
    %jit3A_532 = arith.constant 0 : i32
    %broadcast_in_dim3A_533 = vector.broadcast %jit3A_531 : i32 to vector<8x2048xi32>
    %broadcast_in_dim3A_534 = vector.broadcast %jit3A_532 : i32 to vector<8x2048xi32>
    %select_n3A_535 = arith.select %ge3A_530, %broadcast_in_dim3A_533, %broadcast_in_dim3A_534 : vector<8x2048xi1>, vector<8x2048xi32>
    %reduce_sum3A_536 = arith.constant dense<0> : vector<8xi32>
    %reduce_sum3A_537 = vector.multi_reduction <add>, %select_n3A_535, %reduce_sum3A_536 [1] : vector<8x2048xi32> to vector<8xi32>
    %broadcast_in_dim3A_538 = vector.shape_cast %reduce_sum3A_537 : vector<8xi32> to vector<8x1xi32>
    %ge3A_539 = arith.constant 64 : i32
    %ge3A_540 = vector.broadcast %ge3A_539 : i32 to vector<8x1xi32>
    %ge3A_541 = arith.cmpi sge, %broadcast_in_dim3A_538, %ge3A_540 : vector<8x1xi32>
    %select_n3A_542 = arith.select %ge3A_541, %or3A_528, %select_n3A_525 : vector<8x1xi1>, vector<8x1xi32>
    %or3A_543 = arith.constant 16 : i32
    %or3A_544 = vector.broadcast %or3A_543 : i32 to vector<8x1xi32>
    %or3A_545 = arith.ori %select_n3A_542, %or3A_544 : vector<8x1xi32>
    %ge3A_546 = vector.broadcast %or3A_545 : vector<8x1xi32> to vector<8x2048xi32>
    %ge3A_547 = arith.cmpi sge, %xor3A, %ge3A_546 : vector<8x2048xi32>
    %jit3A_548 = arith.constant 1 : i32
    %jit3A_549 = arith.constant 0 : i32
    %broadcast_in_dim3A_550 = vector.broadcast %jit3A_548 : i32 to vector<8x2048xi32>
    %broadcast_in_dim3A_551 = vector.broadcast %jit3A_549 : i32 to vector<8x2048xi32>
    %select_n3A_552 = arith.select %ge3A_547, %broadcast_in_dim3A_550, %broadcast_in_dim3A_551 : vector<8x2048xi1>, vector<8x2048xi32>
    %reduce_sum3A_553 = arith.constant dense<0> : vector<8xi32>
    %reduce_sum3A_554 = vector.multi_reduction <add>, %select_n3A_552, %reduce_sum3A_553 [1] : vector<8x2048xi32> to vector<8xi32>
    %broadcast_in_dim3A_555 = vector.shape_cast %reduce_sum3A_554 : vector<8xi32> to vector<8x1xi32>
    %ge3A_556 = arith.constant 64 : i32
    %ge3A_557 = vector.broadcast %ge3A_556 : i32 to vector<8x1xi32>
    %ge3A_558 = arith.cmpi sge, %broadcast_in_dim3A_555, %ge3A_557 : vector<8x1xi32>
    %select_n3A_559 = arith.select %ge3A_558, %or3A_545, %select_n3A_542 : vector<8x1xi1>, vector<8x1xi32>
    %or3A_560 = arith.constant 8 : i32
    %or3A_561 = vector.broadcast %or3A_560 : i32 to vector<8x1xi32>
    %or3A_562 = arith.ori %select_n3A_559, %or3A_561 : vector<8x1xi32>
    %ge3A_563 = vector.broadcast %or3A_562 : vector<8x1xi32> to vector<8x2048xi32>
    %ge3A_564 = arith.cmpi sge, %xor3A, %ge3A_563 : vector<8x2048xi32>
    %jit3A_565 = arith.constant 1 : i32
    %jit3A_566 = arith.constant 0 : i32
    %broadcast_in_dim3A_567 = vector.broadcast %jit3A_565 : i32 to vector<8x2048xi32>
    %broadcast_in_dim3A_568 = vector.broadcast %jit3A_566 : i32 to vector<8x2048xi32>
    %select_n3A_569 = arith.select %ge3A_564, %broadcast_in_dim3A_567, %broadcast_in_dim3A_568 : vector<8x2048xi1>, vector<8x2048xi32>
    %reduce_sum3A_570 = arith.constant dense<0> : vector<8xi32>
    %reduce_sum3A_571 = vector.multi_reduction <add>, %select_n3A_569, %reduce_sum3A_570 [1] : vector<8x2048xi32> to vector<8xi32>
    %broadcast_in_dim3A_572 = vector.shape_cast %reduce_sum3A_571 : vector<8xi32> to vector<8x1xi32>
    %ge3A_573 = arith.constant 64 : i32
    %ge3A_574 = vector.broadcast %ge3A_573 : i32 to vector<8x1xi32>
    %ge3A_575 = arith.cmpi sge, %broadcast_in_dim3A_572, %ge3A_574 : vector<8x1xi32>
    %select_n3A_576 = arith.select %ge3A_575, %or3A_562, %select_n3A_559 : vector<8x1xi1>, vector<8x1xi32>
    %or3A_577 = arith.constant 4 : i32
    %or3A_578 = vector.broadcast %or3A_577 : i32 to vector<8x1xi32>
    %or3A_579 = arith.ori %select_n3A_576, %or3A_578 : vector<8x1xi32>
    %ge3A_580 = vector.broadcast %or3A_579 : vector<8x1xi32> to vector<8x2048xi32>
    %ge3A_581 = arith.cmpi sge, %xor3A, %ge3A_580 : vector<8x2048xi32>
    %jit3A_582 = arith.constant 1 : i32
    %jit3A_583 = arith.constant 0 : i32
    %broadcast_in_dim3A_584 = vector.broadcast %jit3A_582 : i32 to vector<8x2048xi32>
    %broadcast_in_dim3A_585 = vector.broadcast %jit3A_583 : i32 to vector<8x2048xi32>
    %select_n3A_586 = arith.select %ge3A_581, %broadcast_in_dim3A_584, %broadcast_in_dim3A_585 : vector<8x2048xi1>, vector<8x2048xi32>
    %reduce_sum3A_587 = arith.constant dense<0> : vector<8xi32>
    %reduce_sum3A_588 = vector.multi_reduction <add>, %select_n3A_586, %reduce_sum3A_587 [1] : vector<8x2048xi32> to vector<8xi32>
    %broadcast_in_dim3A_589 = vector.shape_cast %reduce_sum3A_588 : vector<8xi32> to vector<8x1xi32>
    %ge3A_590 = arith.constant 64 : i32
    %ge3A_591 = vector.broadcast %ge3A_590 : i32 to vector<8x1xi32>
    %ge3A_592 = arith.cmpi sge, %broadcast_in_dim3A_589, %ge3A_591 : vector<8x1xi32>
    %select_n3A_593 = arith.select %ge3A_592, %or3A_579, %select_n3A_576 : vector<8x1xi1>, vector<8x1xi32>
    %or3A_594 = arith.constant 2 : i32
    %or3A_595 = vector.broadcast %or3A_594 : i32 to vector<8x1xi32>
    %or3A_596 = arith.ori %select_n3A_593, %or3A_595 : vector<8x1xi32>
    %ge3A_597 = vector.broadcast %or3A_596 : vector<8x1xi32> to vector<8x2048xi32>
    %ge3A_598 = arith.cmpi sge, %xor3A, %ge3A_597 : vector<8x2048xi32>
    %jit3A_599 = arith.constant 1 : i32
    %jit3A_600 = arith.constant 0 : i32
    %broadcast_in_dim3A_601 = vector.broadcast %jit3A_599 : i32 to vector<8x2048xi32>
    %broadcast_in_dim3A_602 = vector.broadcast %jit3A_600 : i32 to vector<8x2048xi32>
    %select_n3A_603 = arith.select %ge3A_598, %broadcast_in_dim3A_601, %broadcast_in_dim3A_602 : vector<8x2048xi1>, vector<8x2048xi32>
    %reduce_sum3A_604 = arith.constant dense<0> : vector<8xi32>
    %reduce_sum3A_605 = vector.multi_reduction <add>, %select_n3A_603, %reduce_sum3A_604 [1] : vector<8x2048xi32> to vector<8xi32>
    %broadcast_in_dim3A_606 = vector.shape_cast %reduce_sum3A_605 : vector<8xi32> to vector<8x1xi32>
    %ge3A_607 = arith.constant 64 : i32
    %ge3A_608 = vector.broadcast %ge3A_607 : i32 to vector<8x1xi32>
    %ge3A_609 = arith.cmpi sge, %broadcast_in_dim3A_606, %ge3A_608 : vector<8x1xi32>
    %select_n3A_610 = arith.select %ge3A_609, %or3A_596, %select_n3A_593 : vector<8x1xi1>, vector<8x1xi32>
    %or3A_611 = arith.constant 1 : i32
    %or3A_612 = vector.broadcast %or3A_611 : i32 to vector<8x1xi32>
    %or3A_613 = arith.ori %select_n3A_610, %or3A_612 : vector<8x1xi32>
    %ge3A_614 = vector.broadcast %or3A_613 : vector<8x1xi32> to vector<8x2048xi32>
    %ge3A_615 = arith.cmpi sge, %xor3A, %ge3A_614 : vector<8x2048xi32>
    %jit3A_616 = arith.constant 1 : i32
    %jit3A_617 = arith.constant 0 : i32
    %broadcast_in_dim3A_618 = vector.broadcast %jit3A_616 : i32 to vector<8x2048xi32>
    %broadcast_in_dim3A_619 = vector.broadcast %jit3A_617 : i32 to vector<8x2048xi32>
    %select_n3A_620 = arith.select %ge3A_615, %broadcast_in_dim3A_618, %broadcast_in_dim3A_619 : vector<8x2048xi1>, vector<8x2048xi32>
    %reduce_sum3A_621 = arith.constant dense<0> : vector<8xi32>
    %reduce_sum3A_622 = vector.multi_reduction <add>, %select_n3A_620, %reduce_sum3A_621 [1] : vector<8x2048xi32> to vector<8xi32>
    %broadcast_in_dim3A_623 = vector.shape_cast %reduce_sum3A_622 : vector<8xi32> to vector<8x1xi32>
    %ge3A_624 = arith.constant 64 : i32
    %ge3A_625 = vector.broadcast %ge3A_624 : i32 to vector<8x1xi32>
    %ge3A_626 = arith.cmpi sge, %broadcast_in_dim3A_623, %ge3A_625 : vector<8x1xi32>
    %select_n3A_627 = arith.select %ge3A_626, %or3A_613, %select_n3A_610 : vector<8x1xi1>, vector<8x1xi32>
    %gt3A = vector.broadcast %select_n3A_627 : vector<8x1xi32> to vector<8x2048xi32>
    %gt3A_628 = arith.cmpi sgt, %xor3A, %gt3A : vector<8x2048xi32>
    %eq3A = vector.broadcast %select_n3A_627 : vector<8x1xi32> to vector<8x2048xi32>
    %eq3A_629 = arith.cmpi eq, %xor3A, %eq3A : vector<8x2048xi32>
    %jit3A_630 = arith.constant 1 : i32
    %jit3A_631 = arith.constant 0 : i32
    %broadcast_in_dim3A_632 = vector.broadcast %jit3A_630 : i32 to vector<8x2048xi32>
    %broadcast_in_dim3A_633 = vector.broadcast %jit3A_631 : i32 to vector<8x2048xi32>
    %select_n3A_634 = arith.select %gt3A_628, %broadcast_in_dim3A_632, %broadcast_in_dim3A_633 : vector<8x2048xi1>, vector<8x2048xi32>
    %reduce_sum3A_635 = arith.constant dense<0> : vector<8xi32>
    %reduce_sum3A_636 = vector.multi_reduction <add>, %select_n3A_634, %reduce_sum3A_635 [1] : vector<8x2048xi32> to vector<8xi32>
    %broadcast_in_dim3A_637 = vector.shape_cast %reduce_sum3A_636 : vector<8xi32> to vector<8x1xi32>
    %sub3A = arith.constant 64 : i32
    %sub3A_638 = vector.broadcast %sub3A : i32 to vector<8x1xi32>
    %sub3A_639 = arith.subi %sub3A_638, %broadcast_in_dim3A_637 : vector<8x1xi32>
    %jit3A_640 = arith.constant 65536 : i32
    %jit3A_641 = arith.constant 0 : i32
    %broadcast_in_dim3A_642 = vector.broadcast %jit3A_640 : i32 to vector<8x2048xi32>
    %broadcast_in_dim3A_643 = vector.broadcast %jit3A_641 : i32 to vector<8x2048xi32>
    %select_n3A_644 = arith.select %gt3A_628, %broadcast_in_dim3A_642, %broadcast_in_dim3A_643 : vector<8x2048xi1>, vector<8x2048xi32>
    %jit3A_645 = arith.constant 1 : i32
    %jit3A_646 = arith.constant 0 : i32
    %broadcast_in_dim3A_647 = vector.broadcast %jit3A_645 : i32 to vector<8x2048xi32>
    %broadcast_in_dim3A_648 = vector.broadcast %jit3A_646 : i32 to vector<8x2048xi32>
    %select_n3A_649 = arith.select %eq3A_629, %broadcast_in_dim3A_647, %broadcast_in_dim3A_648 : vector<8x2048xi1>, vector<8x2048xi32>
    %add3A = arith.addi %select_n3A_644, %select_n3A_649 : vector<8x2048xi32>
    %reshape3A = vector.shape_cast %add3A : vector<8x2048xi32> to vector<8x16x128xi32>
    %iota3A = tpu.iota {dimensions = array<i32: 2>} : vector<8x16x128xi32>
    %ge3A_650 = arith.constant 1 : i32
    %ge3A_651 = vector.broadcast %ge3A_650 : i32 to vector<8x16x128xi32>
    %ge3A_652 = arith.cmpi sge, %iota3A, %ge3A_651 : vector<8x16x128xi32>
    %roll3A = arith.constant 1 : i32
    %roll3A_653 = tpu.dynamic_rotate %reshape3A by %roll3A dim 2 : vector<8x16x128xi32>, i32 -> vector<8x16x128xi32>
    %jit3A_654 = arith.constant 0 : i32
    %broadcast_in_dim3A_655 = vector.broadcast %jit3A_654 : i32 to vector<8x16x128xi32>
    %select_n3A_656 = arith.select %ge3A_652, %roll3A_653, %broadcast_in_dim3A_655 : vector<8x16x128xi1>, vector<8x16x128xi32>
    %add3A_657 = arith.addi %reshape3A, %select_n3A_656 : vector<8x16x128xi32>
    %ge3A_658 = arith.constant 2 : i32
    %ge3A_659 = vector.broadcast %ge3A_658 : i32 to vector<8x16x128xi32>
    %ge3A_660 = arith.cmpi sge, %iota3A, %ge3A_659 : vector<8x16x128xi32>
    %roll3A_661 = arith.constant 2 : i32
    %roll3A_662 = tpu.dynamic_rotate %add3A_657 by %roll3A_661 dim 2 : vector<8x16x128xi32>, i32 -> vector<8x16x128xi32>
    %jit3A_663 = arith.constant 0 : i32
    %broadcast_in_dim3A_664 = vector.broadcast %jit3A_663 : i32 to vector<8x16x128xi32>
    %select_n3A_665 = arith.select %ge3A_660, %roll3A_662, %broadcast_in_dim3A_664 : vector<8x16x128xi1>, vector<8x16x128xi32>
    %add3A_666 = arith.addi %add3A_657, %select_n3A_665 : vector<8x16x128xi32>
    %ge3A_667 = arith.constant 4 : i32
    %ge3A_668 = vector.broadcast %ge3A_667 : i32 to vector<8x16x128xi32>
    %ge3A_669 = arith.cmpi sge, %iota3A, %ge3A_668 : vector<8x16x128xi32>
    %roll3A_670 = arith.constant 4 : i32
    %roll3A_671 = tpu.dynamic_rotate %add3A_666 by %roll3A_670 dim 2 : vector<8x16x128xi32>, i32 -> vector<8x16x128xi32>
    %jit3A_672 = arith.constant 0 : i32
    %broadcast_in_dim3A_673 = vector.broadcast %jit3A_672 : i32 to vector<8x16x128xi32>
    %select_n3A_674 = arith.select %ge3A_669, %roll3A_671, %broadcast_in_dim3A_673 : vector<8x16x128xi1>, vector<8x16x128xi32>
    %add3A_675 = arith.addi %add3A_666, %select_n3A_674 : vector<8x16x128xi32>
    %ge3A_676 = arith.constant 8 : i32
    %ge3A_677 = vector.broadcast %ge3A_676 : i32 to vector<8x16x128xi32>
    %ge3A_678 = arith.cmpi sge, %iota3A, %ge3A_677 : vector<8x16x128xi32>
    %roll3A_679 = arith.constant 8 : i32
    %roll3A_680 = tpu.dynamic_rotate %add3A_675 by %roll3A_679 dim 2 : vector<8x16x128xi32>, i32 -> vector<8x16x128xi32>
    %jit3A_681 = arith.constant 0 : i32
    %broadcast_in_dim3A_682 = vector.broadcast %jit3A_681 : i32 to vector<8x16x128xi32>
    %select_n3A_683 = arith.select %ge3A_678, %roll3A_680, %broadcast_in_dim3A_682 : vector<8x16x128xi1>, vector<8x16x128xi32>
    %add3A_684 = arith.addi %add3A_675, %select_n3A_683 : vector<8x16x128xi32>
    %ge3A_685 = arith.constant 16 : i32
    %ge3A_686 = vector.broadcast %ge3A_685 : i32 to vector<8x16x128xi32>
    %ge3A_687 = arith.cmpi sge, %iota3A, %ge3A_686 : vector<8x16x128xi32>
    %roll3A_688 = arith.constant 16 : i32
    %roll3A_689 = tpu.dynamic_rotate %add3A_684 by %roll3A_688 dim 2 : vector<8x16x128xi32>, i32 -> vector<8x16x128xi32>
    %jit3A_690 = arith.constant 0 : i32
    %broadcast_in_dim3A_691 = vector.broadcast %jit3A_690 : i32 to vector<8x16x128xi32>
    %select_n3A_692 = arith.select %ge3A_687, %roll3A_689, %broadcast_in_dim3A_691 : vector<8x16x128xi1>, vector<8x16x128xi32>
    %add3A_693 = arith.addi %add3A_684, %select_n3A_692 : vector<8x16x128xi32>
    %ge3A_694 = arith.constant 32 : i32
    %ge3A_695 = vector.broadcast %ge3A_694 : i32 to vector<8x16x128xi32>
    %ge3A_696 = arith.cmpi sge, %iota3A, %ge3A_695 : vector<8x16x128xi32>
    %roll3A_697 = arith.constant 32 : i32
    %roll3A_698 = tpu.dynamic_rotate %add3A_693 by %roll3A_697 dim 2 : vector<8x16x128xi32>, i32 -> vector<8x16x128xi32>
    %jit3A_699 = arith.constant 0 : i32
    %broadcast_in_dim3A_700 = vector.broadcast %jit3A_699 : i32 to vector<8x16x128xi32>
    %select_n3A_701 = arith.select %ge3A_696, %roll3A_698, %broadcast_in_dim3A_700 : vector<8x16x128xi1>, vector<8x16x128xi32>
    %add3A_702 = arith.addi %add3A_693, %select_n3A_701 : vector<8x16x128xi32>
    %ge3A_703 = arith.constant 64 : i32
    %ge3A_704 = vector.broadcast %ge3A_703 : i32 to vector<8x16x128xi32>
    %ge3A_705 = arith.cmpi sge, %iota3A, %ge3A_704 : vector<8x16x128xi32>
    %roll3A_706 = arith.constant 64 : i32
    %roll3A_707 = tpu.dynamic_rotate %add3A_702 by %roll3A_706 dim 2 : vector<8x16x128xi32>, i32 -> vector<8x16x128xi32>
    %jit3A_708 = arith.constant 0 : i32
    %broadcast_in_dim3A_709 = vector.broadcast %jit3A_708 : i32 to vector<8x16x128xi32>
    %select_n3A_710 = arith.select %ge3A_705, %roll3A_707, %broadcast_in_dim3A_709 : vector<8x16x128xi1>, vector<8x16x128xi32>
    %add3A_711 = arith.addi %add3A_702, %select_n3A_710 : vector<8x16x128xi32>
    %slice3A = vector.extract_strided_slice %add3A_711 {offsets = [0, 0, 127], sizes = [8, 16, 1], strides = [1, 1, 1]} : vector<8x16x128xi32> to vector<8x16x1xi32>
    %squeeze3A = vector.shape_cast %slice3A : vector<8x16x1xi32> to vector<8x16xi32>
    %iota3A_712 = tpu.iota {dimensions = array<i32: 1>} : vector<8x16xi32>
    %ge3A_713 = arith.constant 1 : i32
    %ge3A_714 = vector.broadcast %ge3A_713 : i32 to vector<8x16xi32>
    %ge3A_715 = arith.cmpi sge, %iota3A_712, %ge3A_714 : vector<8x16xi32>
    %roll3A_716 = arith.constant 1 : i32
    %roll3A_717 = tpu.dynamic_rotate %squeeze3A by %roll3A_716 dim 1 : vector<8x16xi32>, i32 -> vector<8x16xi32>
    %jit3A_718 = arith.constant 0 : i32
    %broadcast_in_dim3A_719 = vector.broadcast %jit3A_718 : i32 to vector<8x16xi32>
    %select_n3A_720 = arith.select %ge3A_715, %roll3A_717, %broadcast_in_dim3A_719 : vector<8x16xi1>, vector<8x16xi32>
    %add3A_721 = arith.addi %squeeze3A, %select_n3A_720 : vector<8x16xi32>
    %ge3A_722 = arith.constant 2 : i32
    %ge3A_723 = vector.broadcast %ge3A_722 : i32 to vector<8x16xi32>
    %ge3A_724 = arith.cmpi sge, %iota3A_712, %ge3A_723 : vector<8x16xi32>
    %roll3A_725 = arith.constant 2 : i32
    %roll3A_726 = tpu.dynamic_rotate %add3A_721 by %roll3A_725 dim 1 : vector<8x16xi32>, i32 -> vector<8x16xi32>
    %jit3A_727 = arith.constant 0 : i32
    %broadcast_in_dim3A_728 = vector.broadcast %jit3A_727 : i32 to vector<8x16xi32>
    %select_n3A_729 = arith.select %ge3A_724, %roll3A_726, %broadcast_in_dim3A_728 : vector<8x16xi1>, vector<8x16xi32>
    %add3A_730 = arith.addi %add3A_721, %select_n3A_729 : vector<8x16xi32>
    %ge3A_731 = arith.constant 4 : i32
    %ge3A_732 = vector.broadcast %ge3A_731 : i32 to vector<8x16xi32>
    %ge3A_733 = arith.cmpi sge, %iota3A_712, %ge3A_732 : vector<8x16xi32>
    %roll3A_734 = arith.constant 4 : i32
    %roll3A_735 = tpu.dynamic_rotate %add3A_730 by %roll3A_734 dim 1 : vector<8x16xi32>, i32 -> vector<8x16xi32>
    %jit3A_736 = arith.constant 0 : i32
    %broadcast_in_dim3A_737 = vector.broadcast %jit3A_736 : i32 to vector<8x16xi32>
    %select_n3A_738 = arith.select %ge3A_733, %roll3A_735, %broadcast_in_dim3A_737 : vector<8x16xi1>, vector<8x16xi32>
    %add3A_739 = arith.addi %add3A_730, %select_n3A_738 : vector<8x16xi32>
    %ge3A_740 = arith.constant 8 : i32
    %ge3A_741 = vector.broadcast %ge3A_740 : i32 to vector<8x16xi32>
    %ge3A_742 = arith.cmpi sge, %iota3A_712, %ge3A_741 : vector<8x16xi32>
    %roll3A_743 = arith.constant 8 : i32
    %roll3A_744 = tpu.dynamic_rotate %add3A_739 by %roll3A_743 dim 1 : vector<8x16xi32>, i32 -> vector<8x16xi32>
    %jit3A_745 = arith.constant 0 : i32
    %broadcast_in_dim3A_746 = vector.broadcast %jit3A_745 : i32 to vector<8x16xi32>
    %select_n3A_747 = arith.select %ge3A_742, %roll3A_744, %broadcast_in_dim3A_746 : vector<8x16xi1>, vector<8x16xi32>
    %add3A_748 = arith.addi %add3A_739, %select_n3A_747 : vector<8x16xi32>
    %sub3A_749 = arith.subi %add3A_748, %squeeze3A : vector<8x16xi32>
    %sub3A_750 = arith.subi %add3A_711, %reshape3A : vector<8x16x128xi32>
    %broadcast_in_dim3A_751 = vector.shape_cast %sub3A_749 : vector<8x16xi32> to vector<8x16x1xi32>
    %add3A_752 = vector.broadcast %broadcast_in_dim3A_751 : vector<8x16x1xi32> to vector<8x16x128xi32>
    %add3A_753 = arith.addi %sub3A_750, %add3A_752 : vector<8x16x128xi32>
    %reshape3A_754 = vector.shape_cast %add3A_753 : vector<8x16x128xi32> to vector<8x2048xi32>
    %and3A = arith.constant 65535 : i32
    %and3A_755 = vector.broadcast %and3A : i32 to vector<8x2048xi32>
    %and3A_756 = arith.andi %reshape3A_754, %and3A_755 : vector<8x2048xi32>
    %shift_right_logical3A = arith.constant 16 : i32
    %shift_right_logical3A_757 = vector.broadcast %shift_right_logical3A : i32 to vector<8x2048xi32>
    %shift_right_logical3A_758 = arith.shrui %reshape3A_754, %shift_right_logical3A_757 : vector<8x2048xi32>
    %lt3A_759 = vector.broadcast %sub3A_639 : vector<8x1xi32> to vector<8x2048xi32>
    %lt3A_760 = arith.cmpi slt, %and3A_756, %lt3A_759 : vector<8x2048xi32>
    %and3A_761 = arith.andi %eq3A_629, %lt3A_760 : vector<8x2048xi1>
    %or3A_762 = arith.ori %gt3A_628, %and3A_761 : vector<8x2048xi1>
    %reduce_max3A = arith.constant dense<0xFF800000> : vector<8xf32>
    %reduce_max3A_763 = vector.multi_reduction <maximumf>, %mul3A_79, %reduce_max3A [1] : vector<8x2048xf32> to vector<8xf32>
    %broadcast_in_dim3A_764 = vector.shape_cast %reduce_max3A_763 : vector<8xf32> to vector<8x1xf32>
    %sub3A_765 = vector.broadcast %broadcast_in_dim3A_764 : vector<8x1xf32> to vector<8x2048xf32>
    %sub3A_766 = arith.subf %mul3A_79, %sub3A_765 : vector<8x2048xf32>
    %exp3A = math.exp %sub3A_766 : vector<8x2048xf32>
    %jit3A_767 = arith.constant 0.000000e+00 : f32
    %broadcast_in_dim3A_768 = vector.broadcast %jit3A_767 : f32 to vector<8x2048xf32>
    %select_n3A_769 = arith.select %or3A_762, %exp3A, %broadcast_in_dim3A_768 : vector<8x2048xi1>, vector<8x2048xf32>
    %reduce_sum3A_770 = arith.constant dense<0.000000e+00> : vector<8xf32>
    %reduce_sum3A_771 = vector.multi_reduction <add>, %select_n3A_769, %reduce_sum3A_770 [1] : vector<8x2048xf32> to vector<8xf32>
    %broadcast_in_dim3A_772 = vector.shape_cast %reduce_sum3A_771 : vector<8xf32> to vector<8x1xf32>
    %div3A = vector.broadcast %broadcast_in_dim3A_772 : vector<8x1xf32> to vector<8x2048xf32>
    %div3A_773 = arith.divf %select_n3A_769, %div3A : vector<8x2048xf32>
    %swap3A = arith.constant 0 : index
    %swap3A_774 = arith.constant 0 : index
    %swap3A_775 = vector.load %arg3[%swap3A, %swap3A_774] : memref<8x2048xf32, #tpu.memory_space<vmem>>, vector<8x2048xf32>
    tpu.vector_store %arg3[%swap3A, %swap3A_774], %div3A_773 {strides = array<i32>} : memref<8x2048xf32, #tpu.memory_space<vmem>>, vector<8x2048xf32>,
    %min3A = vector.broadcast %sub3A_639 : vector<8x1xi32> to vector<8x2048xi32>
    %min3A_776 = arith.minsi %and3A_756, %min3A : vector<8x2048xi32>
    %add3A_777 = arith.addi %shift_right_logical3A_758, %min3A_776 : vector<8x2048xi32>
    %jit3A_778 = arith.constant 0 : i32
    %broadcast_in_dim3A_779 = vector.broadcast %jit3A_778 : i32 to vector<8x2048xi32>
    %select_n3A_780 = arith.select %or3A_762, %add3A_777, %broadcast_in_dim3A_779 : vector<8x2048xi1>, vector<8x2048xi32>
    %swap3A_781 = arith.constant 0 : index
    %swap3A_782 = arith.constant 0 : index
    %swap3A_783 = vector.load %arg4[%swap3A_781, %swap3A_782] : memref<8x2048xi32, #tpu.memory_space<vmem>>, vector<8x2048xi32>
    tpu.vector_store %arg4[%swap3A_781, %swap3A_782], %select_n3A_780 {strides = array<i32>} : memref<8x2048xi32, #tpu.memory_space<vmem>>, vector<8x2048xi32>,
    return
  }
  func.func @transform_0(%arg0: i32) -> (i32, i32) {
    %c0_i32 = arith.constant 0 : i32
    %c0_i32_0 = arith.constant 0 : i32
    return %arg0, %c0_i32 : i32, i32
  }
  func.func @transform_1(%arg0: i32) -> (i32, i32, i32) {
    %c0_i32 = arith.constant 0 : i32
    %c0_i32_0 = arith.constant 0 : i32
    %c0_i32_1 = arith.constant 0 : i32
    return %arg0, %c0_i32, %c0_i32_0 : i32, i32, i32
  }
  func.func @transform_2(%arg0: i32) -> (i32, i32) {
    %c0_i32 = arith.constant 0 : i32
    %c0_i32_0 = arith.constant 0 : i32
    return %arg0, %c0_i32 : i32, i32
  }
  func.func @transform_3(%arg0: i32) -> (i32, i32) {
    %c0_i32 = arith.constant 0 : i32
    %c0_i32_0 = arith.constant 0 : i32
    return %arg0, %c0_i32 : i32, i32
  }
}

</mosaic_0001>

<sc_bundles>
// kernel: kernel.5.cloned.1.call-start
scs
__scs_entry_jumppad:
0x0: {  	(pc) =	sbr.rel $0x88, $3  }
0x1: {  	(tag) =	ssettag $0x0;
	lr =	simm.s32 $0x1  }
0x2: {  	[smem:$0x3F9A] =	sst lr;
	_ =	strace $0xD0000000  }
0x3: {  	_ = 	snop  }
0x4: {  	_ = 	snop  }
0x5: {  	_ = 	snop  }
0x6: {  	_ = 	snop  }
0x7: {  	_ = 	snop  }
__scs_overlays_trampoline_lowered:
0x8: {  	[smem:$0x3FA9] =	sst s0  }
0x9: {  	[smem:$0x3FAA] =	sst s1  }
0xa: {  	[smem:$0x3FAB] =	sst s2  }
0xb: {  	[smem:$0x3FAC] =	sst s3  }
0xc: {  	[smem:$0x3FAD] =	sst s4  }
0xd: {  	[smem:$0x3FAE] =	sst s5  }
0xe: {  	[smem:$0x3FAF] =	sst s6  }
0xf: {  	[smem:$0x3FB0] =	sst s7  }
0x10: {  	[smem:$0x3FB1] =	sst s8  }
0x11: {  	[smem:$0x3FB2] =	sst s9;
	s0 =	simm.s32 @!p0 $0x0  }
0x12: {  	s1 =	sld [smem:$0x3F98];
	s0 =	simm.s32 @p0 $0x1  }
0x13: {  	[smem:$0x3FB3] =	sst s0;
	s0 =	simm.s32 @!p1 $0x0  }
0x14: {  	s2 =	sld [smem:$0x3F97];
	s0 =	simm.s32 @p1 $0x1  }
0x15: {  	[smem:$0x3FB4] =	sst s0;
	s0 =	simm.s32 @!p2 $0x0  }
0x16: {  	s3 =	sld [smem:$0x3FDB];
	s0 =	simm.s32 @p2 $0x1  }
0x17: {  	s4 =	simm.s32 $0x1BF5;
	[smem:$0x3FB6] =	sst s0  }
0x18: {  	s0 =	sld [smem:$0x3F99];
	_ =	swait.ge [sflag:s4], $0x0  }
0x19: {  	s7 =	sld [smem:$0x3F9A]  }
0x1a: {  	s8 =	sadd.s32 $0xFFFFE003, lr  }
0x1b: {  	s9 =	sadd.s32 $0xFFFFFEF7, lr;
	s5 =	simm.s32 $0xFFFFFFFF;
	p2 =	slt.u32 s8, $0xFFFFF086  }
0x1c: {  	p1 =	slt.u32 s9, $0xF7A;
	s5 =	simm.s32 @!p2 $0x0  }
0x1d: {  	s5 =	simm.s32 @p1 $0x1;
	p0 =	seq.s32 s7, s2  }
0x1e: {  	s7 =	smul.u32 @!p0 $0xF7A, s2;
	p2 =	seq.s32 @!p0 s5, $0x0  }
0x1f: {  	s9 =	smul.u32 $0xF7A, s1;
	s8 =	simm.s32 @!p0 $0x1BF5;
	p2 =	por !p2, p0  }
0x20: {  	[sflag:s8] =	ssyncset.s32 @!p0 $0xFFFFF086;
	s6 =	sadd.s32 @!p0 s3, s7;
	s7 =	simm.s32 @!p0 $0x108  }
0x21: {  	s3 =	sadd.s32 s3, s9;
	s6 =	sadd.s32 @!p0 $0x88, s6;
	s7 =	simm.s32 @p2 $0x1082  }
0x22: {  	[simem:s7], [sflag:s8] =	dma.local @!p0 [hbm:s6], $0xF7A  }
0x23: {  	s9 =	sor.u32 $0xD0000000, s2;
	s6 =	simm.s32 $0x108;
	_ =	swait.ge @!p0 [sflag:s8], $0x0  }
0x24: {  	s3 =	sadd.s32 $0x88, s3;
	s6 =	simm.s32 @!p1 $0x1082;
	[sflag:s4] =	ssyncset.s32 $0xFFFFF086  }
0x25: {  	[simem:s6], [sflag:s4] =	dma.local [hbm:s3], $0xF7A  }
0x26: {  	[smem:$0x3F9A] =	sst s1;
	(tag) =	ssettag s2;
	_ =	strace s9  }
0x27: {  	s1 =	sld [smem:$0x3FAA]  }
0x28: {  	s2 =	sld [smem:$0x3FAB]  }
0x29: {  	s4 =	sld [smem:$0x3FAD]  }
0x2a: {  	p0 =	seq.s32 s5, $0x0;
	s5 =	sld [smem:$0x3FAE]  }
0x2b: {  	s6 =	sld [smem:$0x3FAF]  }
0x2c: {  	s7 =	sld [smem:$0x3FB0]  }
0x2d: {  	s3 =	simm.s32 $0x108;
	s8 =	sld [smem:$0x3FB1]  }
0x2e: {  	s3 =	simm.s32 @!p0 $0x1082;
	s9 =	sld [smem:$0x3FB2]  }
0x2f: {  	lr =	sadd.s32 s0, s3;
	s0 =	sld [smem:$0x3FA9]  }
0x30: {  	s3 =	sld [smem:$0x3FAC]  }
0x31: {  	[smem:$0x3FB5] =	sst s10  }
0x32: {  	s10 =	sld [smem:$0x3FB3];
	_ =	sdelay $0x3  }
0x33: {  	p0 =	seq.s32 s10, $0x1;
	s10 =	sld [smem:$0x3FB5];
	_ =	sdelay $0x3  }
0x34: {  	[smem:$0x3FB5] =	sst s10  }
0x35: {  	s10 =	sld [smem:$0x3FB4];
	_ =	sdelay $0x3  }
0x36: {  	p1 =	seq.s32 s10, $0x1;
	s10 =	sld [smem:$0x3FB5];
	_ =	sdelay $0x3  }
0x37: {  	[smem:$0x3FB5] =	sst s10  }
0x38: {  	s10 =	sld [smem:$0x3FB6]  }
0x39: {  	_ = 	snop;
	(pc) =	sbr.ind lr, $3  }
0x3a: {  	_ = 	snop  }
0x3b: {  	_ = 	snop  }
0x3c: {  	p2 =	seq.s32 s10, $0x1;
	s10 =	sld [smem:$0x3FB5]  }
0x3d: {  	_ =	shalt  }
0x3e: {  	_ =	shalt  }
0x3f: {  	_ =	shalt  }
0x40: {  	_ =	shalt  }
0x41: {  	_ =	shalt  }
0x42: {  	_ =	shalt  }
0x43: {  	_ =	shalt  }
0x44: {  	_ =	shalt  }
0x45: {  	_ =	shalt  }
0x46: {  	_ =	shalt  }
0x47: {  	_ =	shalt  }
0x48: {  	_ =	shalt  }
0x49: {  	_ =	shalt  }
0x4a: {  	_ =	shalt  }
0x4b: {  	_ =	shalt  }
0x4c: {  	_ =	shalt  }
0x4d: {  	_ =	shalt  }
0x4e: {  	_ =	shalt  }
0x4f: {  	_ =	shalt  }
0x50: {  	_ =	shalt  }
0x51: {  	_ =	shalt  }
0x52: {  	_ =	shalt  }
0x53: {  	_ =	shalt  }
0x54: {  	_ =	shalt  }
0x55: {  	_ =	shalt  }
0x56: {  	_ =	shalt  }
0x57: {  	_ =	shalt  }
0x58: {  	_ =	shalt  }
0x59: {  	_ =	shalt  }
0x5a: {  	_ =	shalt  }
0x5b: {  	_ =	shalt  }
0x5c: {  	_ =	shalt  }
0x5d: {  	_ =	shalt  }
0x5e: {  	_ =	shalt  }
0x5f: {  	_ =	shalt  }
0x60: {  	_ =	shalt  }
0x61: {  	_ =	shalt  }
0x62: {  	_ =	shalt  }
0x63: {  	_ =	shalt  }
0x64: {  	_ =	shalt  }
0x65: {  	_ =	shalt  }
0x66: {  	_ =	shalt  }
0x67: {  	_ =	shalt  }
0x68: {  	_ =	shalt  }
0x69: {  	_ =	shalt  }
0x6a: {  	_ =	shalt  }
0x6b: {  	_ =	shalt  }
0x6c: {  	_ =	shalt  }
0x6d: {  	_ =	shalt  }
0x6e: {  	_ =	shalt  }
0x6f: {  	_ =	shalt  }
0x70: {  	_ =	shalt  }
0x71: {  	_ =	shalt  }
0x72: {  	_ =	shalt  }
0x73: {  	_ =	shalt  }
0x74: {  	_ =	shalt  }
0x75: {  	_ =	shalt  }
0x76: {  	_ =	shalt  }
0x77: {  	_ =	shalt  }
0x78: {  	_ =	shalt  }
0x79: {  	_ =	shalt  }
0x7a: {  	_ =	shalt  }
0x7b: {  	_ =	shalt  }
0x7c: {  	_ =	shalt  }
0x7d: {  	_ =	shalt  }
0x7e: {  	_ =	shalt  }
0x7f: {  	_ =	shalt  }
0x80: {  	_ =	shalt  }
0x81: {  	_ =	shalt  }
0x82: {  	_ =	shalt  }
0x83: {  	_ =	shalt  }
0x84: {  	_ =	shalt  }
0x85: {  	_ =	shalt  }
0x86: {  	_ =	shalt  }
0x87: {  	_ =	shalt  }
.Lfunc_end0:
.L_simem_size_0:
called_computation_lowered:
.L_overlay_start_0:
0x88: {  	s2 =	sld [smem:$0x3FD9]  }
0x89: {  	s3 =	sld [smem:$0x3FFE];
	_ =	sdelay $0x1  }
0x8a: {  	s1 =	srdreg.scid  }
0x8b: {  	s0 =	sand.u32 $0x1, s1  }
0x8c: {  	s14 =	sshll.u32 s0, $0xA;
	s2 =	sadd.s32 s3, s2  }
0x8d: {  	s2 =	sadd.s32 s2, s14  }
0x8e: {  	[smem:$0x3FC1] =	sst s2  }
0x8f: {  	_ = 	snop  }
0x90: {  	s2 =	sld [smem:$0x3FD0];
	_ =	sdelay $0x2  }
0x91: {  	s4 =	simm.s32 $0xA;
	s5 =	simm.s32 $0x10;
	s15 =	sld [smem:$0x3FC7]  }
0x92: {  	[smem:s5], [sflag:s4] =	dma.local [hbm:s2], $0x1  }
0x93: {  	_ =	swait.eq [sflag:s4], $0x1  }
0x94: {  	[sflag:s4] =	ssyncset.done $0x0  }
0x95: {  	s16 =	sld [smem:$0x11];
	[sflag:s4] =	ssyncadd.s32 $0xFFFFFFFF  }
0x96: {  	s17 =	sld [smem:$0x12];
	(tm) =	ssettm $0x1  }
0x97: {  	s18 =	sld [smem:$0x3FFB];
	_ =	sdelay $0x3  }
0x98: {  	_ =	strace s18  }
0x99: {  	s5 =	sld [smem:$0x3FFC];
	_ =	sdelay $0x3  }
0x9a: {  	_ =	strace s5  }
0x9b: {  	s5 =	sld [smem:$0x3FFD];
	_ =	sdelay $0x3  }
0x9c: {  	_ =	strace s5  }
0x9d: {  	_ =	strace $0x8FFFFFFF  }
0x9e: {  	s19 =	sld [smem:$0x3FDB];
	_ =	sdelay $0x1  }
0x9f: {  	s6 =	simm.s32 $_scs_section_size  }
0xa0: {  	s7 =	simm.s32 $_size__tile_overlayer_lowered;
	s8 =	simm.s32 $_tile_overlayer_lowered  }
0xa1: {  	s22 =	simm.s32 $0x1BFF;
	s21 =	sshll.u32 s8, $0x1;
	s5 =	sadd.s32 s6, s19  }
0xa2: {  	s9 =	simm.s32 $0x0;
	s20 =	sshll.u32 s7, $0x1;
	s7 =	sadd.s32 s21, s5  }
0xa3: {  	[timem:s9], [sflag:s22] =	dma.local [hbm:s7], s20  }
0xa4: {  	_ =	swait.ge [sflag:s22], s20  }
0xa5: {  	s6 =	ssub.s32 $0x0, s20;
	[sflag:s22] =	ssyncset.done $0x0  }
0xa6: {  	[sflag:s22] =	ssyncadd.s32 s6;
	_ =	sdelay $0x1  }
0xa7: {  	s23 =	simm.s32 $0x1B8B  }
0xa8: {  	_ =	swait.ge [sflag:s23], $0x1  }
0xa9: {  	[sflag:s23] =	ssyncset.done $0x0  }
0xaa: {  	s25 =	simm.s32 $0x1B8E;
	s24 =	sld [smem:$0x3FFE];
	[sflag:s23] =	ssyncadd.s32 $0xFFFFFFFF  }
0xab: {  	s26 =	simm.s32 $execute0_lowered;
	[smem:$0x3FD2] =	sst s25  }
0xac: {  	s7 =	sshll.u32 s26, $0x1;
	_ =	strace $0x80000046;
	[dreg:$0x1] =	wrdreg $0xFFFFFFFF  }
0xad: {  	s28 =	simm.s32 $_size_execute0_lowered;
	s5 =	sadd.s32 s5, s7;
	[dreg:$0x0] =	wrdreg $0x0  }
0xae: {  	s7 =	sshll.u32 s28, $0x1;
	[dreg:$0x2] =	wrdreg s5  }
0xaf: {  	[dreg:$0x3] =	wrdreg s7  }
0xb0: {  	[dreg:$0x4] =	wrdreg $0xC0  }
0xb1: {  	_ =	task [dreg:s9], $0x5FFFF  }
0xb2: {  	[dreg:$0x1] =	wrdreg $0xFFFFFFFF  }
0xb3: {  	[dreg:$0x0] =	wrdreg $0x60  }
0xb4: {  	[dreg:$0x2] =	wrdreg s17  }
0xb5: {  	[dreg:$0x3] =	wrdreg s24  }
0xb6: {  	[dreg:$0x4] =	wrdreg s15  }
0xb7: {  	[dreg:$0x5] =	wrdreg s16  }
0xb8: {  	[dreg:$0x6] =	wrdreg $0x9  }
0xb9: {  	_ =	task.clear_ibuf [dreg:s9], $0x7FFFF;
	_ =	strace $0x90000046  }
0xba: {  	s29 =	simm.s32 $0x9;
	_ =	strace $0x80000048  }
0xbb: {  	_ =	swait.ge [sflag:s29], $0x1  }
0xbc: {  	[sflag:s29] =	ssyncadd.s32 $0xFFFFFFFF  }
0xbd: {  	_ =	strace $0x90000048  }
0xbe: {  	_ =	sfence  }
0xbf: {  	s30 =	sld [smem:$0x0];
	_ =	sdelay $0x2  }
0xc0: {  	s31 =	sshll.u32 s1, $0xD;
	s1 =	sshrl.u32 s1, $0x2  }
0xc1: {  	s3 =	sand.u32 $0x4000, s31;
	s1 =	sadd.s32 s1, s30  }
0xc2: {  	s0 =	sor.u32 s3, s0;
	s1 =	sshll.u32 s1, $0x11  }
0xc3: {  	s0 =	sor.u32 s1, s0  }
0xc4: {  	s0 =	sadd.s32 $0x8F2B, s0  }
0xc5: {  	[sflag:s0] =	ssyncadd.remote.s32 $0x1  }
0xc6: {  	_ =	sfence.sel $0xFFFF  }
0xc7: {  	[dreg:$0x0] =	wrdreg $0xFFFFFFFF;
	(pc) =	sbr.abs _section_cstart, $3  }
0xc8: {  	[dreg:$0x1] =	wrdreg $0xFFFFFFFF  }
0xc9: {  	_ =	task.clear_ibuf [dreg:s9], $0x2FFFF;
	_ =	strace $0x9FFFFFFF  }
0xca: {  	(tm) =	ssettm $0x7FFFFFFF  }
0xcb: {  	_ =	shalt  }
tec
execute0_lowered:
.L_overlay_start_1:
0x0: {  	(tag) =	ssettag $0x1  }
0x1: {  	s0 =	rddreg [dreg:$0x0]  }
0x2: {  	s1 =	rddreg [dreg:$0x1]  }
0x3: {  	s16 =	rddreg [dreg:$0x2]  }
0x4: {  	s2 =	rddreg [dreg:$0x3]  }
0x5: {  	s3 =	simm.s32 $0x0;
	s4 =	srdreg.scid;
	s17 =	stileid.u32  }
0x6: {  	[smem:$0x7FF] =	sst s3;
	s8 =	sand.u32 $0x1, s4;
	s23 =	sshll.u32 s17, $0x1  }
0x7: {  	s7 =	sadd.s32 $0x1C00, s1;
	s1 =	sadd.s32 $0x5C00, s1;
	s11 =	sshrl.u32 s17, $0x1  }
0x8: {  	_ =	strace $0x80000047;
	s9 =	sor.u32 s8, s23;
	s24 =	ssub.s32 $0x2, s8  }
0x9: {  	s25 =	sshll.u32 s11, $0xE;
	s20 =	sshll.u32 s11, $0xA;
	s10 =	sshllo.u32 s9, $0x1  }
0xa: {  	s5 =	sshll.u32 s9, $0x8;
	s26 =	sshrl.u32 s24, $0x1;
	s19 =	sshll.u32 s9, $0xB  }
0xb: {  	s6 =	sshll.u32 s10, $0x7;
	s12 =	sand.u32 $0x300, s5;
	s15 =	ssub.s32 s24, s26  }
0xc: {  	s10 =	sshll.u32 s10, $0xA;
	s13 =	sand.u32 $0x380, s6;
	s14 =	sor.u32 s25, s12  }
0xd: {  	s22 =	sadd.s32 s1, s10;
	s24 =	smax.u32 s15, $0x1;
	s5 =	sor.u32 s25, s13  }
0xe: {  	s14 =	sshrl.u32 s14, $0x3;
	s9 =	sor.u32 s20, s13;
	[dreg:$0x7] =	wrdreg s22  }
0xf: {  	[dreg:$0x9] =	wrdreg s24;
	s18 =	sshrl.u32 s5, $0x3;
	s4 =	sadd.s32 s0, s14  }
0x10: {  	s9 =	sshrl.u32 s9, $0x3;
	s6 =	sadd.s32 s0, s18;
	s0 =	sadd.s32 s1, s19  }
0x11: {  	s23 =	sadd.s32 s2, s9;
	[dreg:$0x5] =	wrdreg s0  }
0x12: {  	s25 =	sadd.s32 $0x80, s4;
	[dreg:$0x8] =	wrdreg s23  }
0x13: {  	s26 =	sadd.s32 $0x100, s4;
	[dreg:$0xa] =	wrdreg s25  }
0x14: {  	s1 =	sadd.s32 $0x180, s4;
	[dreg:$0xb] =	wrdreg s26  }
0x15: {  	s9 =	sadd.s32 $0x280, s4;
	[dreg:$0xc] =	wrdreg s1  }
0x16: {  	s10 =	sadd.s32 $0x300, s4;
	[dreg:$0xe] =	wrdreg s9  }
0x17: {  	s11 =	sadd.s32 $0x380, s4;
	[dreg:$0xf] =	wrdreg s10  }
0x18: {  	s21 =	sor.u32 s20, s12;
	s12 =	sadd.s32 $0x400, s4;
	[dreg:$0x10] =	wrdreg s11  }
0x19: {  	s5 =	sadd.s32 s7, s14;
	s13 =	sadd.s32 $0x480, s4;
	[dreg:$0x11] =	wrdreg s12  }
0x1a: {  	s14 =	sshll.u32 s17, $0xD;
	s17 =	sadd.s32 $0x500, s4;
	[dreg:$0x12] =	wrdreg s13  }
0x1b: {  	s7 =	sadd.s32 s7, s18;
	s18 =	sadd.s32 $0x580, s4;
	[dreg:$0x13] =	wrdreg s17  }
0x1c: {  	s19 =	sadd.s32 $0x600, s4;
	[dreg:$0x14] =	wrdreg s18  }
0x1d: {  	s20 =	sadd.s32 $0x680, s4;
	[dreg:$0x15] =	wrdreg s19  }
0x1e: {  	s22 =	sadd.s32 $0x780, s4;
	[dreg:$0x16] =	wrdreg s20  }
0x1f: {  	s15 =	sshll.u32 s8, $0xC;
	s8 =	sadd.s32 $0x300, s5;
	[dreg:$0x18] =	wrdreg s22  }
0x20: {  	s24 =	sor.u32 s15, s14;
	s14 =	sadd.s32 $0x600, s5;
	[dreg:$0x1e] =	wrdreg s8  }
0x21: {  	s15 =	sadd.s32 $0x680, s5;
	[smem:$0x7E0] =	sst s14  }
0x22: {  	s0 =	sshrl.u32 s21, $0x3;
	s21 =	sadd.s32 $0x700, s4;
	[smem:$0x7E1] =	sst s15  }
0x23: {  	s23 =	sadd.s32 $0x80, s5;
	[dreg:$0x17] =	wrdreg s21  }
0x24: {  	s25 =	sadd.s32 $0x100, s5;
	[dreg:$0x19] =	wrdreg s23  }
0x25: {  	s26 =	sadd.s32 $0x180, s5;
	[dreg:$0x1a] =	wrdreg s25  }
0x26: {  	s1 =	sadd.s32 $0x200, s5;
	[dreg:$0x1b] =	wrdreg s26  }
0x27: {  	s9 =	sadd.s32 $0x380, s5;
	[dreg:$0x1c] =	wrdreg s1  }
0x28: {  	s10 =	sadd.s32 $0x400, s5;
	[dreg:$0x1f] =	wrdreg s9  }
0x29: {  	s11 =	sadd.s32 $0x480, s5;
	[smem:$0x7DC] =	sst s10  }
0x2a: {  	s12 =	sadd.s32 $0x500, s5;
	[smem:$0x7DD] =	sst s11  }
0x2b: {  	s13 =	sadd.s32 $0x580, s5;
	[smem:$0x7DE] =	sst s12  }
0x2c: {  	s17 =	sadd.s32 $0x700, s5;
	[smem:$0x7DF] =	sst s13  }
0x2d: {  	s18 =	sadd.s32 $0x780, s5;
	[smem:$0x7E2] =	sst s17  }
0x2e: {  	s19 =	sadd.s32 $0x80, s6;
	[smem:$0x7E3] =	sst s18  }
0x2f: {  	s20 =	sadd.s32 $0x100, s6;
	[smem:$0x7E4] =	sst s19  }
0x30: {  	s22 =	sadd.s32 $0x200, s6;
	[smem:$0x7E5] =	sst s20  }
0x31: {  	s8 =	sadd.s32 $0x500, s6;
	[smem:$0x7E7] =	sst s22  }
0x32: {  	s14 =	sadd.s32 $0x80, s7;
	[smem:$0x7ED] =	sst s8  }
0x33: {  	s15 =	sadd.s32 $0x100, s7;
	[smem:$0x7F3] =	sst s14  }
0x34: {  	s0 =	sadd.s32 s2, s0;
	[smem:$0x7F4] =	sst s15  }
0x35: {  	s2 =	sadd.s32 $0x200, s4;
	[dreg:$0x6] =	wrdreg s0  }
0x36: {  	s21 =	sadd.s32 $0x180, s6;
	[dreg:$0xd] =	wrdreg s2  }
0x37: {  	s23 =	sadd.s32 $0x280, s6;
	[smem:$0x7E6] =	sst s21  }
0x38: {  	s25 =	sadd.s32 $0x300, s6;
	[smem:$0x7E8] =	sst s23  }
0x39: {  	s26 =	sadd.s32 $0x380, s6;
	[smem:$0x7E9] =	sst s25  }
0x3a: {  	s1 =	sadd.s32 $0x400, s6;
	[smem:$0x7EA] =	sst s26  }
0x3b: {  	s9 =	sadd.s32 $0x580, s6;
	[smem:$0x7EB] =	sst s1  }
0x3c: {  	s10 =	sadd.s32 $0x600, s6;
	[smem:$0x7EE] =	sst s9  }
0x3d: {  	s11 =	sadd.s32 $0x680, s6;
	[smem:$0x7EF] =	sst s10  }
0x3e: {  	s12 =	sadd.s32 $0x700, s6;
	[smem:$0x7F0] =	sst s11  }
0x3f: {  	s13 =	sadd.s32 $0x780, s6;
	[smem:$0x7F1] =	sst s12  }
0x40: {  	s17 =	sadd.s32 $0x180, s7;
	[smem:$0x7F2] =	sst s13  }
0x41: {  	s28 =	simm.s32 $0x40;
	s18 =	sadd.s32 $0x200, s7;
	[smem:$0x7F5] =	sst s17  }
0x42: {  	s29 =	simm.s32 $0x2200;
	s19 =	sadd.s32 $0x280, s7;
	[smem:$0x7F6] =	sst s18  }
0x43: {  	s30 =	simm.s32 $0x2080;
	s20 =	sadd.s32 $0x300, s7;
	[smem:$0x7F7] =	sst s19  }
0x44: {  	s31 =	simm.s32 $0x2180;
	s22 =	sadd.s32 $0x400, s7;
	[smem:$0x7F8] =	sst s20  }
0x45: {  	s8 =	simm.s32 $0x0;
	s2 =	sadd.s32 $0x280, s5;
	[smem:$0x7FA] =	sst s22  }
0x46: {  	s21 =	sadd.s32 $0x380, s7;
	s23 =	sadd.s32 $0x480, s7;
	[dreg:$0x1d] =	wrdreg s2  }
0x47: {  	s25 =	sadd.s32 $0x500, s7;
	s26 =	sadd.s32 $0x580, s7;
	[smem:$0x7F9] =	sst s21  }
0x48: {  	s19 =	sadd.s32 $0x600, s7;
	s20 =	sadd.s32 $0x680, s7;
	[smem:$0x7FB] =	sst s23  }
0x49: {  	s22 =	sadd.s32 $0x780, s7;
	s0 =	simm.s32 $0x4200;
	[smem:$0x7FC] =	sst s25  }
0x4a: {  	s1 =	simm.s32 $0x3;
	s2 =	sadd.s32 $0x480, s6;
	[smem:$0x7FD] =	sst s26  }
0x4b: {  	s21 =	sadd.s32 $0x700, s7;
	s23 =	simm.s32 $0x1;
	s25 =	simm.s32 $0x2000  }
0x4c: {  	v0 =	vimm.s32 $0x0;
	v1 =	vimm.f32 $0.0e+00;
	v2 =	vlaneseq.u32;
	s26 =	simm.s32 $0x2100;
	[smem:$0x7EC] =	sst s2;
	s2 =	simm.s32 $0x2  }
.LBB2_1:
0x4d: {  	[tilespmem:s3], [sflag:$0x1] =	stream.linear.gather [hbm4b:s4+s3], $0x80, $0x38;
	[tilespmem:$0x6200] =	vst v63  }
0x4e: {  	s9 =	rddreg [dreg:$0xa];
	s10 =	simm.s32 $0x100  }
0x4f: {  	[tilespmem:s10], [sflag:$0x1] =	stream.linear.gather [hbm4b:s9+s3], $0x80, $0x38;
	[tilespmem:$0x6200] =	vst v63  }
0x50: {  	s11 =	simm.s32 $0x200;
	s10 =	rddreg [dreg:$0xb]  }
0x51: {  	[tilespmem:s11], [sflag:$0x1] =	stream.linear.gather [hbm4b:s10+s3], $0x80, $0x38;
	[tilespmem:$0x6200] =	vst v63  }
0x52: {  	s12 =	rddreg [dreg:$0xc];
	s13 =	simm.s32 $0x300  }
0x53: {  	[tilespmem:s13], [sflag:$0x1] =	stream.linear.gather [hbm4b:s12+s3], $0x80, $0x38;
	[tilespmem:$0x6200] =	vst v63  }
0x54: {  	s14 =	rddreg [dreg:$0xd];
	s15 =	simm.s32 $0x400  }
0x55: {  	[tilespmem:s15], [sflag:$0x1] =	stream.linear.gather [hbm4b:s14+s3], $0x80, $0x38;
	[tilespmem:$0x6200] =	vst v63  }
0x56: {  	s17 =	rddreg [dreg:$0xe];
	s18 =	simm.s32 $0x500  }
0x57: {  	[tilespmem:s18], [sflag:$0x1] =	stream.linear.gather [hbm4b:s17+s3], $0x80, $0x38;
	[tilespmem:$0x6200] =	vst v63  }
0x58: {  	s10 =	rddreg [dreg:$0xf];
	s11 =	simm.s32 $0x600  }
0x59: {  	[tilespmem:s11], [sflag:$0x1] =	stream.linear.gather [hbm4b:s10+s3], $0x80, $0x38;
	[tilespmem:$0x6200] =	vst v63  }
0x5a: {  	s12 =	rddreg [dreg:$0x10];
	s13 =	simm.s32 $0x700  }
0x5b: {  	[tilespmem:s13], [sflag:$0x1] =	stream.linear.gather [hbm4b:s12+s3], $0x80, $0x38;
	[tilespmem:$0x6200] =	vst v63  }
0x5c: {  	s14 =	rddreg [dreg:$0x11];
	s15 =	simm.s32 $0x800  }
0x5d: {  	[tilespmem:s15], [sflag:$0x1] =	stream.linear.gather [hbm4b:s14+s3], $0x80, $0x38;
	[tilespmem:$0x6200] =	vst v63  }
0x5e: {  	s17 =	rddreg [dreg:$0x12];
	s18 =	simm.s32 $0x900  }
0x5f: {  	[tilespmem:s18], [sflag:$0x1] =	stream.linear.gather [hbm4b:s17+s3], $0x80, $0x38;
	[tilespmem:$0x6200] =	vst v63  }
0x60: {  	s10 =	rddreg [dreg:$0x13];
	s11 =	simm.s32 $0xA00  }
0x61: {  	[tilespmem:s11], [sflag:$0x1] =	stream.linear.gather [hbm4b:s10+s3], $0x80, $0x38;
	[tilespmem:$0x6200] =	vst v63  }
0x62: {  	s12 =	rddreg [dreg:$0x14];
	s13 =	simm.s32 $0xB00  }
0x63: {  	[tilespmem:s13], [sflag:$0x1] =	stream.linear.gather [hbm4b:s12+s3], $0x80, $0x38;
	[tilespmem:$0x6200] =	vst v63  }
0x64: {  	s14 =	rddreg [dreg:$0x15];
	s15 =	simm.s32 $0xC00  }
0x65: {  	[tilespmem:s15], [sflag:$0x1] =	stream.linear.gather [hbm4b:s14+s3], $0x80, $0x38;
	[tilespmem:$0x6200] =	vst v63  }
0x66: {  	s17 =	rddreg [dreg:$0x16];
	s18 =	simm.s32 $0xD00  }
0x67: {  	[tilespmem:s18], [sflag:$0x1] =	stream.linear.gather [hbm4b:s17+s3], $0x80, $0x38;
	[tilespmem:$0x6200] =	vst v63  }
0x68: {  	s11 =	rddreg [dreg:$0x17];
	s12 =	simm.s32 $0xE00  }
0x69: {  	[tilespmem:s12], [sflag:$0x1] =	stream.linear.gather [hbm4b:s11+s3], $0x80, $0x38;
	[tilespmem:$0x6200] =	vst v63  }
0x6a: {  	s13 =	rddreg [dreg:$0x18];
	s14 =	simm.s32 $0xF00  }
0x6b: {  	[tilespmem:s14], [sflag:$0x1] =	stream.linear.gather [hbm4b:s13+s3], $0x80, $0x38;
	[tilespmem:$0x6200] =	vst v63  }
0x6c: {  	s10 =	rddreg [dreg:$0x1a];
	s15 =	simm.s32 $0x1000  }
0x6d: {  	[tilespmem:s15], [sflag:$0x1] =	stream.linear.gather [hbm4b:s5+s3], $0x80, $0x38;
	[tilespmem:$0x6200] =	vst v63  }
0x6e: {  	s17 =	rddreg [dreg:$0x19];
	s18 =	simm.s32 $0x1100  }
0x6f: {  	[tilespmem:s18], [sflag:$0x1] =	stream.linear.gather [hbm4b:s17+s3], $0x80, $0x38;
	[tilespmem:$0x6200] =	vst v63  }
0x70: {  	s11 =	simm.s32 $0x1200;
	s12 =	rddreg [dreg:$0x1b]  }
0x71: {  	[tilespmem:s11], [sflag:$0x1] =	stream.linear.gather [hbm4b:s10+s3], $0x80, $0x38;
	[tilespmem:$0x6200] =	vst v63  }
0x72: {  	s13 =	simm.s32 $0x1300;
	s14 =	rddreg [dreg:$0x1c]  }
0x73: {  	[tilespmem:s13], [sflag:$0x1] =	stream.linear.gather [hbm4b:s12+s3], $0x80, $0x38;
	[tilespmem:$0x6200] =	vst v63  }
0x74: {  	s15 =	simm.s32 $0x1400;
	s17 =	rddreg [dreg:$0x1d]  }
0x75: {  	[tilespmem:s15], [sflag:$0x1] =	stream.linear.gather [hbm4b:s14+s3], $0x80, $0x38;
	[tilespmem:$0x6200] =	vst v63  }
0x76: {  	s18 =	simm.s32 $0x1500;
	s10 =	rddreg [dreg:$0x1e]  }
0x77: {  	[tilespmem:s18], [sflag:$0x1] =	stream.linear.gather [hbm4b:s17+s3], $0x80, $0x38;
	[tilespmem:$0x6200] =	vst v63  }
0x78: {  	s11 =	simm.s32 $0x1600;
	s12 =	rddreg [dreg:$0x1f]  }
0x79: {  	[tilespmem:s11], [sflag:$0x1] =	stream.linear.gather [hbm4b:s10+s3], $0x80, $0x38;
	[tilespmem:$0x6200] =	vst v63  }
0x7a: {  	s13 =	simm.s32 $0x1700;
	s14 =	sld [smem:$0x7DC]  }
0x7b: {  	[tilespmem:s13], [sflag:$0x1] =	stream.linear.gather [hbm4b:s12+s3], $0x80, $0x38;
	[tilespmem:$0x6200] =	vst v63  }
0x7c: {  	s15 =	simm.s32 $0x1800;
	s17 =	sld [smem:$0x7DD]  }
0x7d: {  	[tilespmem:s15], [sflag:$0x1] =	stream.linear.gather [hbm4b:s14+s3], $0x80, $0x38;
	[tilespmem:$0x6200] =	vst v63  }
0x7e: {  	s18 =	simm.s32 $0x1900;
	s10 =	sld [smem:$0x7DE]  }
0x7f: {  	[tilespmem:s18], [sflag:$0x1] =	stream.linear.gather [hbm4b:s17+s3], $0x80, $0x38;
	[tilespmem:$0x6200] =	vst v63  }
0x80: {  	s11 =	simm.s32 $0x1A00;
	s12 =	sld [smem:$0x7DF]  }
0x81: {  	[tilespmem:s11], [sflag:$0x1] =	stream.linear.gather [hbm4b:s10+s3], $0x80, $0x38;
	[tilespmem:$0x6200] =	vst v63  }
0x82: {  	s13 =	simm.s32 $0x1B00;
	s14 =	sld [smem:$0x7E0]  }
0x83: {  	[tilespmem:s13], [sflag:$0x1] =	stream.linear.gather [hbm4b:s12+s3], $0x80, $0x38;
	[tilespmem:$0x6200] =	vst v63  }
0x84: {  	s15 =	simm.s32 $0x1C00;
	s17 =	sld [smem:$0x7E1]  }
0x85: {  	[tilespmem:s15], [sflag:$0x1] =	stream.linear.gather [hbm4b:s14+s3], $0x80, $0x38;
	[tilespmem:$0x6200] =	vst v63  }
0x86: {  	s18 =	simm.s32 $0x1D00;
	s11 =	sld [smem:$0x7E2]  }
0x87: {  	[tilespmem:s18], [sflag:$0x1] =	stream.linear.gather [hbm4b:s17+s3], $0x80, $0x38;
	[tilespmem:$0x6200] =	vst v63  }
0x88: {  	s12 =	simm.s32 $0x1E00;
	s13 =	sld [smem:$0x7E3]  }
0x89: {  	[tilespmem:s12], [sflag:$0x1] =	stream.linear.gather [hbm4b:s11+s3], $0x80, $0x38;
	[tilespmem:$0x6200] =	vst v63  }
0x8a: {  	s14 =	simm.s32 $0x1F00  }
0x8b: {  	[tilespmem:s14], [sflag:$0x1] =	stream.linear.gather [hbm4b:s13+s3], $0x80, $0x38;
	[tilespmem:$0x6200] =	vst v63  }
0x8c: {  	s15 =	simm.s32 $0x80;
	s17 =	sld [smem:$0x7E4]  }
0x8d: {  	[tilespmem:s15], [sflag:$0x1] =	stream.linear.gather [hbm4b:s6+s3], $0x80, $0x38;
	[tilespmem:$0x6200] =	vst v63  }
0x8e: {  	s10 =	sld [smem:$0x7E5];
	s18 =	simm.s32 $0x180  }
0x8f: {  	[tilespmem:s18], [sflag:$0x1] =	stream.linear.gather [hbm4b:s17+s3], $0x80, $0x38;
	[tilespmem:$0x6200] =	vst v63  }
0x90: {  	s11 =	simm.s32 $0x280;
	s12 =	sld [smem:$0x7E6]  }
0x91: {  	[tilespmem:s11], [sflag:$0x1] =	stream.linear.gather [hbm4b:s10+s3], $0x80, $0x38;
	[tilespmem:$0x6200] =	vst v63  }
0x92: {  	s13 =	simm.s32 $0x380;
	s14 =	sld [smem:$0x7E7]  }
0x93: {  	[tilespmem:s13], [sflag:$0x1] =	stream.linear.gather [hbm4b:s12+s3], $0x80, $0x38;
	[tilespmem:$0x6200] =	vst v63  }
0x94: {  	s15 =	simm.s32 $0x480;
	s17 =	sld [smem:$0x7E8]  }
0x95: {  	[tilespmem:s15], [sflag:$0x1] =	stream.linear.gather [hbm4b:s14+s3], $0x80, $0x38;
	[tilespmem:$0x6200] =	vst v63  }
0x96: {  	s18 =	simm.s32 $0x580;
	s10 =	sld [smem:$0x7E9]  }
0x97: {  	[tilespmem:s18], [sflag:$0x1] =	stream.linear.gather [hbm4b:s17+s3], $0x80, $0x38;
	[tilespmem:$0x6200] =	vst v63  }
0x98: {  	s11 =	simm.s32 $0x680;
	s12 =	sld [smem:$0x7EA]  }
0x99: {  	[tilespmem:s11], [sflag:$0x1] =	stream.linear.gather [hbm4b:s10+s3], $0x80, $0x38;
	[tilespmem:$0x6200] =	vst v63  }
0x9a: {  	s13 =	simm.s32 $0x780;
	s14 =	sld [smem:$0x7EB]  }
0x9b: {  	[tilespmem:s13], [sflag:$0x1] =	stream.linear.gather [hbm4b:s12+s3], $0x80, $0x38;
	[tilespmem:$0x6200] =	vst v63  }
0x9c: {  	s15 =	simm.s32 $0x880;
	s17 =	sld [smem:$0x7EC]  }
0x9d: {  	[tilespmem:s15], [sflag:$0x1] =	stream.linear.gather [hbm4b:s14+s3], $0x80, $0x38;
	[tilespmem:$0x6200] =	vst v63  }
0x9e: {  	s18 =	simm.s32 $0x980;
	s10 =	sld [smem:$0x7ED]  }
0x9f: {  	[tilespmem:s18], [sflag:$0x1] =	stream.linear.gather [hbm4b:s17+s3], $0x80, $0x38;
	[tilespmem:$0x6200] =	vst v63  }
0xa0: {  	s11 =	simm.s32 $0xA80;
	s12 =	sld [smem:$0x7EE]  }
0xa1: {  	[tilespmem:s11], [sflag:$0x1] =	stream.linear.gather [hbm4b:s10+s3], $0x80, $0x38;
	[tilespmem:$0x6200] =	vst v63  }
0xa2: {  	s13 =	simm.s32 $0xB80;
	s14 =	sld [smem:$0x7EF]  }
0xa3: {  	[tilespmem:s13], [sflag:$0x1] =	stream.linear.gather [hbm4b:s12+s3], $0x80, $0x38;
	[tilespmem:$0x6200] =	vst v63  }
0xa4: {  	s15 =	simm.s32 $0xC80;
	s17 =	sld [smem:$0x7F0]  }
0xa5: {  	[tilespmem:s15], [sflag:$0x1] =	stream.linear.gather [hbm4b:s14+s3], $0x80, $0x38;
	[tilespmem:$0x6200] =	vst v63  }
0xa6: {  	s18 =	simm.s32 $0xD80;
	s11 =	sld [smem:$0x7F1]  }
0xa7: {  	[tilespmem:s18], [sflag:$0x1] =	stream.linear.gather [hbm4b:s17+s3], $0x80, $0x38;
	[tilespmem:$0x6200] =	vst v63  }
0xa8: {  	s12 =	simm.s32 $0xE80;
	s13 =	sld [smem:$0x7F2]  }
0xa9: {  	[tilespmem:s12], [sflag:$0x1] =	stream.linear.gather [hbm4b:s11+s3], $0x80, $0x38;
	[tilespmem:$0x6200] =	vst v63  }
0xaa: {  	s14 =	simm.s32 $0xF80  }
0xab: {  	[tilespmem:s14], [sflag:$0x1] =	stream.linear.gather [hbm4b:s13+s3], $0x80, $0x38;
	[tilespmem:$0x6200] =	vst v63  }
0xac: {  	s15 =	simm.s32 $0x1080;
	s17 =	sld [smem:$0x7F3]  }
0xad: {  	[tilespmem:s15], [sflag:$0x1] =	stream.linear.gather [hbm4b:s7+s3], $0x80, $0x38;
	[tilespmem:$0x6200] =	vst v63  }
0xae: {  	s10 =	sld [smem:$0x7F4];
	s18 =	simm.s32 $0x1180  }
0xaf: {  	[tilespmem:s18], [sflag:$0x1] =	stream.linear.gather [hbm4b:s17+s3], $0x80, $0x38;
	[tilespmem:$0x6200] =	vst v63  }
0xb0: {  	s11 =	simm.s32 $0x1280;
	s12 =	sld [smem:$0x7F5]  }
0xb1: {  	[tilespmem:s11], [sflag:$0x1] =	stream.linear.gather [hbm4b:s10+s3], $0x80, $0x38;
	[tilespmem:$0x6200] =	vst v63  }
0xb2: {  	s13 =	simm.s32 $0x1380;
	s14 =	sld [smem:$0x7F6]  }
0xb3: {  	[tilespmem:s13], [sflag:$0x1] =	stream.linear.gather [hbm4b:s12+s3], $0x80, $0x38;
	[tilespmem:$0x6200] =	vst v63  }
0xb4: {  	s15 =	simm.s32 $0x1480;
	s17 =	sld [smem:$0x7F7]  }
0xb5: {  	[tilespmem:s15], [sflag:$0x1] =	stream.linear.gather [hbm4b:s14+s3], $0x80, $0x38;
	[tilespmem:$0x6200] =	vst v63  }
0xb6: {  	s18 =	simm.s32 $0x1580;
	s10 =	sld [smem:$0x7F8]  }
0xb7: {  	[tilespmem:s18], [sflag:$0x1] =	stream.linear.gather [hbm4b:s17+s3], $0x80, $0x38;
	[tilespmem:$0x6200] =	vst v63  }
0xb8: {  	s11 =	simm.s32 $0x1680;
	s12 =	sld [smem:$0x7F9]  }
0xb9: {  	[tilespmem:s11], [sflag:$0x1] =	stream.linear.gather [hbm4b:s10+s3], $0x80, $0x38;
	[tilespmem:$0x6200] =	vst v63  }
0xba: {  	s13 =	simm.s32 $0x1780;
	s14 =	sld [smem:$0x7FA]  }
0xbb: {  	[tilespmem:s13], [sflag:$0x1] =	stream.linear.gather [hbm4b:s12+s3], $0x80, $0x38;
	[tilespmem:$0x6200] =	vst v63  }
0xbc: {  	s15 =	simm.s32 $0x1880;
	s17 =	sld [smem:$0x7FB]  }
0xbd: {  	[tilespmem:s15], [sflag:$0x1] =	stream.linear.gather [hbm4b:s14+s3], $0x80, $0x38;
	[tilespmem:$0x6200] =	vst v63  }
0xbe: {  	s18 =	simm.s32 $0x1980;
	s10 =	sld [smem:$0x7FC]  }
0xbf: {  	[tilespmem:s18], [sflag:$0x1] =	stream.linear.gather [hbm4b:s17+s3], $0x80, $0x38;
	[tilespmem:$0x6200] =	vst v63  }
0xc0: {  	s11 =	simm.s32 $0x1A80;
	s12 =	sld [smem:$0x7FD]  }
0xc1: {  	[tilespmem:s11], [sflag:$0x1] =	stream.linear.gather [hbm4b:s10+s3], $0x80, $0x38;
	[tilespmem:$0x6200] =	vst v63  }
0xc2: {  	s13 =	simm.s32 $0x1B80  }
0xc3: {  	[tilespmem:s13], [sflag:$0x1] =	stream.linear.gather [hbm4b:s12+s3], $0x80, $0x38;
	[tilespmem:$0x6200] =	vst v63  }
0xc4: {  	s14 =	simm.s32 $0x1C80  }
0xc5: {  	[tilespmem:s14], [sflag:$0x1] =	stream.linear.gather [hbm4b:s19+s3], $0x80, $0x38;
	[tilespmem:$0x6200] =	vst v63  }
0xc6: {  	s15 =	simm.s32 $0x1D80  }
0xc7: {  	[tilespmem:s15], [sflag:$0x1] =	stream.linear.gather [hbm4b:s20+s3], $0x80, $0x38;
	[tilespmem:$0x6200] =	vst v63  }
0xc8: {  	s17 =	simm.s32 $0x1E80  }
0xc9: {  	[tilespmem:s17], [sflag:$0x1] =	stream.linear.gather [hbm4b:s21+s3], $0x80, $0x38;
	[tilespmem:$0x6200] =	vst v63  }
0xca: {  	s18 =	simm.s32 $0x1F80  }
0xcb: {  	[tilespmem:s18], [sflag:$0x1] =	stream.linear.gather [hbm4b:s22+s3], $0x80, $0x38;
	[tilespmem:$0x6200] =	vst v63  }
0xcc: {  	[tilespmem:$0x2000] =	vst v0  }
0xcd: {  	[tilespmem:$0x2100] =	vst v1  }
0xce: {  	[tilespmem:$0x2010] =	vst v0  }
0xcf: {  	[tilespmem:$0x2110] =	vst v1  }
0xd0: {  	[tilespmem:$0x2020] =	vst v0  }
0xd1: {  	[tilespmem:$0x2120] =	vst v1  }
0xd2: {  	[tilespmem:$0x2030] =	vst v0  }
0xd3: {  	[tilespmem:$0x2130] =	vst v1  }
0xd4: {  	[tilespmem:$0x2080] =	vst v0  }
0xd5: {  	[tilespmem:$0x2180] =	vst v1  }
0xd6: {  	[tilespmem:$0x2090] =	vst v0  }
0xd7: {  	[tilespmem:$0x2190] =	vst v1  }
0xd8: {  	[tilespmem:$0x20A0] =	vst v0  }
0xd9: {  	[tilespmem:$0x21A0] =	vst v1  }
0xda: {  	[tilespmem:$0x20B0] =	vst v0  }
0xdb: {  	[tilespmem:$0x21B0] =	vst v1  }
0xdc: {  	_ =	swait.ge [sflag:s23], $0x800  }
0xdd: {  	[sflag:s23] =	ssyncset.done $0x0  }
0xde: {  	[sflag:s23] =	ssyncadd.s32 $0xFFFFF800  }
0xdf: {  	_ =	swait.ge [sflag:s23], $0x800  }
0xe0: {  	[sflag:s23] =	ssyncset.done $0x0  }
0xe1: {  	[sflag:s23] =	ssyncadd.s32 $0xFFFFF800  }
0xe2: {  	_ =	swait.ge [sflag:s23], $0x800  }
0xe3: {  	[sflag:s23] =	ssyncset.done $0x0  }
0xe4: {  	[sflag:s23] =	ssyncadd.s32 $0xFFFFF800  }
0xe5: {  	_ =	swait.ge [sflag:s23], $0x800  }
0xe6: {  	[sflag:s23] =	ssyncset.done $0x0  }
0xe7: {  	s9 =	simm.s32 $0x0;
	s10 =	simm.s32 $0x0;
	[sflag:s23] =	ssyncadd.s32 $0xFFFFF800  }
.LBB2_2:
0xe8: {  	s11 =	sand.u32 $0x40, s10;
	s12 =	sand.u32 $0xF00, s9  }
0xe9: {  	s11 =	sor.u32 s11, s12  }
0xea: {  	v3 =	vld [tilespmem:s11+$0x0];
	_ =	sdelay $0x2  }
0xeb: {  	v4 =	vld [tilespmem:s11+$0x1000];
	_ =	sdelay $0x1  }
0xec: {  	vm0 =	vgt.f32 v3, $0.0e+00;
	_ =	sdelay $0x3  }
0xed: {  	s11 =	sadd.s32 s10, s24  }
0xee: {  	s13 =	sadd.s32 $0x10, s10;
	v5 =	vor.u32 s11, v2  }
0xef: {  	s13 =	sand.u32 $0x50, s13;
	[tilespmem:v4+s25+$0x0] =	vst.idx.msk vm0, v5  }
0xf0: {  	s13 =	sor.u32 s12, s13;
	[tilespmem:v4+s26+$0x0] =	vst.idx.msk vm0, v3  }
0xf1: {  	v3 =	vld [tilespmem:s13+$0x0];
	_ =	sdelay $0x2  }
0xf2: {  	v4 =	vld [tilespmem:s13+$0x1000];
	_ =	sdelay $0x1  }
0xf3: {  	vm13 =	vgt.f32 v3, $0.0e+00;
	_ =	sdelay $0x3  }
0xf4: {  	s14 =	sadd.s32 $0x10, s11  }
0xf5: {  	s15 =	sadd.s32 $0x20, s10;
	v61 =	vor.u32 s14, v2  }
0xf6: {  	s13 =	sand.u32 $0x60, s15;
	[tilespmem:v4+s25+$0x0] =	vst.idx.msk vm13, v61  }
0xf7: {  	s13 =	sor.u32 s12, s13;
	[tilespmem:v4+s26+$0x0] =	vst.idx.msk vm13, v3  }
0xf8: {  	v3 =	vld [tilespmem:s13+$0x0];
	_ =	sdelay $0x2  }
0xf9: {  	v4 =	vld [tilespmem:s13+$0x1000];
	_ =	sdelay $0x1  }
0xfa: {  	vm14 =	vgt.f32 v3, $0.0e+00;
	_ =	sdelay $0x3  }
0xfb: {  	s17 =	sadd.s32 $0x20, s11  }
0xfc: {  	s18 =	sadd.s32 $0x30, s10;
	v62 =	vor.u32 s17, v2  }
0xfd: {  	s13 =	sand.u32 $0x70, s18;
	[tilespmem:v4+s25+$0x0] =	vst.idx.msk vm14, v62  }
0xfe: {  	s12 =	sor.u32 s12, s13;
	[tilespmem:v4+s26+$0x0] =	vst.idx.msk vm14, v3  }
0xff: {  	v3 =	vld [tilespmem:s12+$0x0];
	_ =	sdelay $0x2  }
0x100: {  	v4 =	vld [tilespmem:s12+$0x1000];
	_ =	sdelay $0x1  }
0x101: {  	vm15 =	vgt.f32 v3, $0.0e+00;
	_ =	sdelay $0x1  }
0x102: {  	p0 =	sne.s32 s10, $0x7C0  }
.Ltmp0:
0x103: {  	_ = 	snop;
	(pc) =	sbr.rel @p0 .LBB2_2-.Ltmp0, $4  }
0x104: {  	s11 =	sadd.s32 $0x30, s11  }
0x105: {  	v63 =	vor.u32 s11, v2  }
0x106: {  	[tilespmem:v4+s25+$0x0] =	vst.idx.msk vm15, v63  }
0x107: {  	s9 =	sadd.s32 $0x80, s9;
	s10 =	sadd.s32 $0x40, s10;
	[tilespmem:v4+s26+$0x0] =	vst.idx.msk vm15, v3  }
0x108: {  	s18 =	smov.u32 s16  }
0x109: {  	[tilespmem:s29], [sflag:$0x2] =	stream.indirect.gather [hbm4b:s16+s28], $0x80, s25, s28, $0xb8;
	[tilespmem:$0x6200] =	vst v63  }
0x10a: {  	s9 =	simm.s32 $0x0;
	s10 =	simm.s32 $0x20;
	p0 =	por $0x0, $0x0  }
0x10b: {  	s11 =	simm.s32 $0x0;
	s12 =	simm.s32 $0x0;
	s13 =	simm.s32 $0x20  }
.LBB2_4:
0x10c: {  	s14 =	simm.s32 $0x1  }
0x10d: {  	s14 =	simm.s32 @!p0 $0x0  }
0x10e: {  	s14 =	sshll.u32 s14, $0x6  }
0x10f: {  	s14 =	sadd.s32 s14, s12  }
0x110: {  	s14 =	sor.u32 $0x80, s14  }
0x111: {  	v3 =	vld [tilespmem:s14+$0x0];
	_ =	sdelay $0x2  }
0x112: {  	v4 =	vld [tilespmem:s14+$0x1000];
	_ =	sdelay $0x1  }
0x113: {  	vm0 =	vgt.f32 v3, $0.0e+00;
	_ =	sdelay $0x2  }
0x114: {  	s16 =	sand.u32 $0x7, s11;
	s15 =	sadd.s32 s13, s24  }
0x115: {  	s14 =	sshll.u32 s16, $0x4;
	s16 =	sadd.s32 $0x7E0, s15  }
0x116: {  	s14 =	sadd.s32 s14, s12;
	v5 =	vor.u32 s16, v2  }
0x117: {  	s17 =	sadd.s32 $0x10, s14;
	[tilespmem:v4+s30+$0x0] =	vst.idx.msk vm0, v5  }
0x118: {  	s16 =	sor.u32 $0x80, s17;
	[tilespmem:v4+s31+$0x0] =	vst.idx.msk vm0, v3  }
0x119: {  	v3 =	vld [tilespmem:s16+$0x0];
	_ =	sdelay $0x2  }
0x11a: {  	v4 =	vld [tilespmem:s16+$0x1000];
	_ =	sdelay $0x1  }
0x11b: {  	vm13 =	vgt.f32 v3, $0.0e+00;
	_ =	sdelay $0x3  }
0x11c: {  	s17 =	sadd.s32 $0x7F0, s15;
	s16 =	sand.u32 $0x3, s9  }
0x11d: {  	v61 =	vor.u32 s17, v2;
	s16 =	sshll.u32 s16, $0x5  }
0x11e: {  	s16 =	sadd.s32 s16, s10;
	[tilespmem:v4+s30+$0x0] =	vst.idx.msk vm13, v61  }
0x11f: {  	s16 =	sor.u32 $0x80, s16;
	[tilespmem:v4+s31+$0x0] =	vst.idx.msk vm13, v3  }
0x120: {  	v3 =	vld [tilespmem:s16+$0x0];
	_ =	sdelay $0x2  }
0x121: {  	v4 =	vld [tilespmem:s16+$0x1000];
	_ =	sdelay $0x1  }
0x122: {  	vm14 =	vgt.f32 v3, $0.0e+00;
	_ =	sdelay $0x3  }
0x123: {  	s17 =	sadd.s32 $0x800, s15  }
0x124: {  	v62 =	vor.u32 s17, v2  }
0x125: {  	s14 =	sadd.s32 $0x30, s14;
	[tilespmem:v4+s30+$0x0] =	vst.idx.msk vm14, v62  }
0x126: {  	s14 =	sor.u32 $0x80, s14;
	[tilespmem:v4+s31+$0x0] =	vst.idx.msk vm14, v3  }
0x127: {  	v3 =	vld [tilespmem:s14+$0x0];
	_ =	sdelay $0x2  }
0x128: {  	v4 =	vld [tilespmem:s14+$0x1000];
	_ =	sdelay $0x1  }
0x129: {  	vm15 =	vgt.f32 v3, $0.0e+00;
	_ =	sdelay $0x1  }
0x12a: {  	p1 =	sne.s32 s13, $0x7E0  }
.Ltmp1:
0x12b: {  	_ = 	snop;
	(pc) =	sbr.rel @p1 .LBB2_4-.Ltmp1, $4  }
0x12c: {  	s17 =	sadd.s32 $0x810, s15  }
0x12d: {  	v63 =	vor.u32 s17, v2  }
0x12e: {  	s11 =	sadd.s32 $0x4, s11;
	s13 =	sadd.s32 $0x40, s13;
	p0 =	por !p0, !p0;
	[tilespmem:v4+s30+$0x0] =	vst.idx.msk vm15, v63  }
0x12f: {  	s12 =	sadd.s32 $0x80, s12;
	s9 =	sadd.s32 $0x2, s9;
	s10 =	sadd.s32 $0x80, s10;
	[tilespmem:v4+s31+$0x0] =	vst.idx.msk vm15, v3  }
0x130: {  	[tilespmem:s0], [sflag:$0x2] =	stream.indirect.gather [hbm4b:s18+s28], $0x80, s30, s28, $0xb8;
	[tilespmem:$0x6200] =	vst v63  }
0x131: {  	_ =	swait.ge [sflag:s2], $0x2000  }
0x132: {  	[sflag:s2] =	ssyncset.done $0x0  }
0x133: {  	s9 =	rddreg [dreg:$0x5];
	[sflag:s2] =	ssyncadd.s32 $0xFFFFE000  }
0x134: {  	[hbm4b:s9+s3] =	stream.linear.scatter [tilespmem:s29], [sflag:$0x3], $0x2000, $0x38;
	[tilespmem:$0x6200] =	vst v63  }
0x135: {  	s14 =	rddreg [dreg:$0x6]  }
0x136: {  	[hbm4b:s14+s3] =	stream.linear.scatter [tilespmem:s26], [sflag:$0x3], $0x80, $0x38;
	[tilespmem:$0x6200] =	vst v63  }
0x137: {  	_ =	swait.ge [sflag:s2], $0x2000  }
0x138: {  	[sflag:s2] =	ssyncset.done $0x0  }
0x139: {  	s15 =	rddreg [dreg:$0x7];
	[sflag:s2] =	ssyncadd.s32 $0xFFFFE000  }
0x13a: {  	[hbm4b:s15+s3] =	stream.linear.scatter [tilespmem:s0], [sflag:$0x3], $0x2000, $0x38;
	[tilespmem:$0x6200] =	vst v63  }
0x13b: {  	s17 =	rddreg [dreg:$0x8]  }
0x13c: {  	[hbm4b:s17+s3] =	stream.linear.scatter [tilespmem:s31], [sflag:$0x3], $0x80, $0x38;
	[tilespmem:$0x6200] =	vst v63  }
0x13d: {  	_ =	swait.ge [sflag:s1], $0x2000  }
0x13e: {  	[sflag:s1] =	ssyncset.done $0x0  }
0x13f: {  	[sflag:s1] =	ssyncadd.s32 $0xFFFFE000  }
0x140: {  	_ =	swait.ge [sflag:s1], $0x80  }
0x141: {  	[sflag:s1] =	ssyncset.done $0x0  }
0x142: {  	[sflag:s1] =	ssyncadd.s32 $0xFFFFFF80  }
0x143: {  	_ =	swait.ge [sflag:s1], $0x2000  }
0x144: {  	[sflag:s1] =	ssyncset.done $0x0  }
0x145: {  	[sflag:s1] =	ssyncadd.s32 $0xFFFFE000  }
0x146: {  	_ =	swait.ge [sflag:s1], $0x80  }
0x147: {  	s16 =	smov.u32 s18;
	s8 =	sadd.s32 $0x1, s8;
	s18 =	rddreg [dreg:$0x9]  }
0x148: {  	p0 =	sne.s32 s8, s18  }
.Ltmp2:
0x149: {  	_ = 	snop;
	(pc) =	sbr.rel @p0 .LBB2_1-.Ltmp2, $3  }
0x14a: {  	_ =	sdelay $0x1  }
0x14b: {  	[sflag:s1] =	ssyncset.done $0x0  }
0x14c: {  	[sflag:s1] =	ssyncadd.s32 $0xFFFFFF80  }
0x14d: {  	_ =	sfence.sel $0x180000  }
0x14e: {  	[bflag:$0x0] =	sbarrier.arrive $0xFFFF  }
0x14f: {  	_ =	strace $0x90000047  }
0x150: {  	s0 =	stileid.u32;
	[bflag:$0x2] =	sbarrier.arrive $0xFFFF  }
0x151: {  	p0 =	sne.s32 s0, $0x0;
	s0 =	rddreg [dreg:$0x4]  }
0x152: {  	s0 =	sadd.s32 @!p0 $0x100000, s0  }
0x153: {  	[sflag:s0] =	ssyncadd.tile.s32 @!p0 $0x1;
	_ =	shalt  }
.Lfunc_end2:
_tile_overlayer_lowered:
.L_overlay_start_2:
0x154: {  	(tag) =	ssettag $0x2  }
0x155: {  	s0 =	rddreg [dreg:$0x0];
	s2 =	stileid.u32  }
0x156: {  	s1 =	rddreg [dreg:$0x1];
	p0 =	sne.s32 s2, $0x0  }
0x157: {  	s3 =	rddreg [dreg:$0x2];
	[bflag:$0x3] =	sbarrier.arrive $0xFFFF;
	s2 =	simm.s32 @!p0 $0x1C04  }
0x158: {  	[timem:s3], [sflag:s2] =	dma.local @!p0 [hbm:s0], s1  }
0x159: {  	s0 =	simm.s32 @!p0 $0x4  }
0x15a: {  	_ =	swait.ge @!p0 [sflag:s0], s1  }
0x15b: {  	s1 =	ssub.s32 @!p0 $0x0, s1;
	[sflag:s0] =	ssyncset.done @!p0 $0x0  }
0x15c: {  	[sflag:s0] =	ssyncadd.s32 @!p0 s1  }
0x15d: {  	[bflag:$0x3] =	sbarrier.arrive $0xFFFF  }
0x15e: {  	_ =	shalt  }

</sc_bundles>
